<compile_context>
chip_gen: v7x
topology: tpu7x:2x2x1
jax: 0.10.2.dev20260603
libtpu: 0.0.44.dev20260713+nightly
codegen_flags: <defaults>
</compile_context>

<pallas_src>
import functools

import jax
import jax.numpy as jnp
from jax import lax
from jax.experimental import pallas as pl
from jax.experimental.pallas import tpu as pltpu
from jax.experimental.pallas import tpu_sc as plsc

N = 6_400_000
S = 100_000
S_PAD = 100_352
SLICE = S_PAD // 16
P = 2_000
ST = P // 16
PER_TILE = N // 32
N_WIN = PER_TILE // P
NBUF = 5
DRAIN_BLK = 256
UNROLL = 4


def _sc_segsum(ids, vals):
    mesh = plsc.VectorSubcoreMesh(core_axis_name="c", subcore_axis_name="s")

    @functools.partial(
        pl.kernel,
        mesh=mesh,
        out_type=jax.ShapeDtypeStruct((2, S_PAD), jnp.float32),
        compiler_params=pltpu.CompilerParams(needs_layout_passes=False),
        scratch_types=(
            [pltpu.VMEM((P,), jnp.int32) for _ in range(NBUF)]
            + [pltpu.VMEM((P,), jnp.float32) for _ in range(NBUF)]
            + [pltpu.VMEM((S_PAD,), jnp.float32),
               pltpu.VMEM((DRAIN_BLK,), jnp.int32),
               pltpu.VMEM((16,), jnp.int32),
               pltpu.VMEM((16,), jnp.int32),
               pltpu.VMEM_SHARED((S_PAD,), jnp.float32)]
            + [pltpu.SemaphoreType.DMA for _ in range(NBUF)]
        ),
    )
    def k(ids_hbm, vals_hbm, out_hbm, *scratch):
        idx_bufs = scratch[:NBUF]
        val_bufs = scratch[NBUF:2 * NBUF]
        acc_t = scratch[2 * NBUF]
        drain_idx = scratch[2 * NBUF + 1]
        lo_v = scratch[2 * NBUF + 2]
        hi_v = scratch[2 * NBUF + 3]
        acc_sh = scratch[2 * NBUF + 4]
        sem_g = scratch[2 * NBUF + 5:]

        c = lax.axis_index("c")
        s = lax.axis_index("s")
        wid = c * 16 + s
        base = wid * PER_TILE
        ji = lax.iota(jnp.int32, 16)
        bidx = ji * ST
        zeros16 = jnp.zeros((16,), jnp.float32)

        def start_gather(j, b):
            off = base + j * P
            pltpu.async_copy(ids_hbm.at[pl.ds(off, P)], idx_bufs[b], sem_g[b])
            pltpu.async_copy(vals_hbm.at[pl.ds(off, P)], val_bufs[b], sem_g[b])

        def wait_gather(b):
            pltpu.make_async_copy(ids_hbm.at[pl.ds(0, P)], idx_bufs[b],
                                  sem_g[b]).wait()
            pltpu.make_async_copy(vals_hbm.at[pl.ds(0, P)], val_bufs[b],
                                  sem_g[b]).wait()

        for b in range(NBUF - 1):
            start_gather(b, b)

        @plsc.parallel_loop(0, S_PAD // 16, unroll=8)
        def _(i):
            acc_t[pl.ds(i * 16, 16)] = zeros16
        pltpu.sync_copy(acc_t.at[pl.ds(0, SLICE)],
                        acc_sh.at[pl.ds(s * SLICE, SLICE)])
        plsc.subcore_barrier()

        def process_window(b, carry):
            idb, vlb = idx_bufs[b], val_bufs[b]

            @plsc.parallel_loop(0, ST, unroll=UNROLL, carry=carry)
            def final(k_, carry_):
                prev, run = carry_
                iv = bidx + k_
                cur = plsc.load_gather(idb, [iv])
                v = plsc.load_gather(vlb, [iv])
                ch = cur != prev
                plsc.addupdate_scatter(acc_t, [prev], run, mask=ch)
                run = jnp.where(ch, v, run + v)
                return cur, run

            return final

        n_outer = N_WIN // NBUF

        def win_body(g, carry):
            for b in range(NBUF):
                j = NBUF * g + b
                wait_gather(b)
                carry = process_window(b, carry)

                @pl.when(j + NBUF - 1 < N_WIN)
                def _():
                    start_gather(j + NBUF - 1, (b + NBUF - 1) % NBUF)
            return carry
        prev, run = lax.fori_loop(
            0, n_outer, win_body,
            (jnp.zeros((16,), jnp.int32), jnp.zeros((16,), jnp.float32)))
        plsc.addupdate_scatter(acc_t, [prev], run)

        pltpu.sync_copy(ids_hbm.at[pl.ds(base, 16)], lo_v)
        pltpu.sync_copy(ids_hbm.at[pl.ds(base + PER_TILE - 16, 16)], hi_v)
        lo = jnp.min(lo_v[...])
        hi = jnp.max(hi_v[...])
        lo_blk = (lo // DRAIN_BLK) * DRAIN_BLK
        n_blk = (hi - lo_blk) // DRAIN_BLK + 1

        def drain_body(t, _):
            bs = lo_blk + t * DRAIN_BLK
            for i in range(DRAIN_BLK // 16):
                drain_idx[pl.ds(i * 16, 16)] = ji + (bs + i * 16)
            pltpu.sync_copy(acc_t.at[pl.ds(bs, DRAIN_BLK)],
                            acc_sh.at[drain_idx], add=True)
            return _
        lax.fori_loop(0, n_blk, drain_body, None)
        plsc.subcore_barrier()

        pltpu.sync_copy(acc_sh.at[pl.ds(s * SLICE, SLICE)],
                        out_hbm.at[c, pl.ds(s * SLICE, SLICE)])

    return k(ids, vals)


def _tc_combine(partials):
    def body(p_ref, o_ref):
        o_ref[...] = p_ref[0] + p_ref[1]

    return pl.pallas_call(
        body,
        out_shape=jax.ShapeDtypeStruct((S_PAD,), jnp.float32),
    )(partials)


@jax.jit
def kernel(ind_1, output):
    ids = jnp.reshape(ind_1, (N,))
    vals = jnp.reshape(output, (N,))
    partials = _sc_segsum(ids, vals)
    return _tc_combine(partials)[:S]

# --- scband reference (transcript-rebuilt; emitter-appended) ---
"""Pipeline reference for scband-annoutput-68573447848119 (READ-ONLY COPY).

The authoritative reference and input builder live on the scoring server;
editing this copy changes nothing except your own understanding.
"""

import jax, jax.numpy as jnp
import numpy as np

N = 6_400_000
S = 100_000


def setup_inputs(seed: int = 0) -> dict:
    key = jax.random.key(seed)
    k1, k2 = jax.random.split(key)
    ind_1 = jnp.sort(jax.random.randint(k1, (N, 1), 0, S, dtype=jnp.int32), axis=0)
    # guarantee the max segment id is present so num_segments == S deterministically
    ind_1 = ind_1.at[-1, 0].set(S - 1)
    output = jax.random.normal(k2, (N, 1), dtype=jnp.float32)
    return {"ind_1": ind_1, "output": output}


def reference(ind_1, output):
    # ANNOutput with out_pool='sum':
    # pooled = unsorted_segment_sum(output, ind_1[:, 0], max(ind_1)+1); squeeze axis=1
    seg_ids = ind_1[:, 0]
    num_segments = S
    pooled = jax.ops.segment_sum(output, seg_ids, num_segments=num_segments)
    return jnp.squeeze(pooled, axis=1)

if __name__ == "__main__":
    import jax
    _d = setup_inputs()
    print(jax.jit(kernel)(*tuple(_d.values())))

</pallas_src>

<mosaic_0001>
#map = affine_map<(d0, d1) -> (0)>
#map1 = affine_map<(d0, d1) -> (0, 0)>
module attributes {stable_mosaic.version = 14 : i64} {
  func.func @k(%arg0: i32, %arg1: i32, %arg2: memref<6400000xi32, #tpu.memory_space<hbm>>, %arg3: memref<6400000xf32, #tpu.memory_space<hbm>>, %arg4: memref<2x100352xf32, #tpu.memory_space<hbm>>, %arg5: memref<2000xi32, #tpu.memory_space<vmem>>, %arg6: memref<2000xi32, #tpu.memory_space<vmem>>, %arg7: memref<2000xi32, #tpu.memory_space<vmem>>, %arg8: memref<2000xi32, #tpu.memory_space<vmem>>, %arg9: memref<2000xi32, #tpu.memory_space<vmem>>, %arg10: memref<2000xf32, #tpu.memory_space<vmem>>, %arg11: memref<2000xf32, #tpu.memory_space<vmem>>, %arg12: memref<2000xf32, #tpu.memory_space<vmem>>, %arg13: memref<2000xf32, #tpu.memory_space<vmem>>, %arg14: memref<2000xf32, #tpu.memory_space<vmem>>, %arg15: memref<100352xf32, #tpu.memory_space<vmem>>, %arg16: memref<256xi32, #tpu.memory_space<vmem>>, %arg17: memref<16xi32, #tpu.memory_space<vmem>>, %arg18: memref<16xi32, #tpu.memory_space<vmem>>, %arg19: memref<100352xf32, #tpu.memory_space<vmem_shared>>, %arg20: memref<!tpu.dma_semaphore, #tpu.memory_space<semaphore_mem>>, %arg21: memref<!tpu.dma_semaphore, #tpu.memory_space<semaphore_mem>>, %arg22: memref<!tpu.dma_semaphore, #tpu.memory_space<semaphore_mem>>, %arg23: memref<!tpu.dma_semaphore, #tpu.memory_space<semaphore_mem>>, %arg24: memref<!tpu.dma_semaphore, #tpu.memory_space<semaphore_mem>>) attributes {dimension_semantics = [#tpu.dimension_semantics<core_parallel>, #tpu.dimension_semantics<subcore_parallel>], iteration_bounds = array<i64: 2, 16>, scalar_prefetch = 0 : i64, scratch_operands = 20 : i64, tpu.core_type = #tpu.core_type<sc_vector_subcore>, window_params = [{transform_indices = #map}, {transform_indices = #map}, {transform_indices = #map1}]} {
    %mul3A = arith.constant 16 : i32
    %mul3A_0 = arith.muli %arg0, %mul3A : i32
    %add3A = arith.addi %mul3A_0, %arg1 : i32
    %mul3A_1 = arith.constant 200000 : i32
    %mul3A_2 = arith.muli %add3A, %mul3A_1 : i32
    %iota3A = tpu.iota {dimensions = array<i32: 0>} : vector<16xi32>
    %mul3A_3 = arith.constant 125 : i32
    %mul3A_4 = vector.broadcast %mul3A_3 : i32 to vector<16xi32>
    %mul3A_5 = arith.muli %iota3A, %mul3A_4 : vector<16xi32>
    %broadcast_in_dim3A = arith.constant 0.000000e+00 : f32
    %broadcast_in_dim3A_6 = vector.broadcast %broadcast_in_dim3A : f32 to vector<16xf32>
    %add3A_7 = arith.constant 0 : i32
    %add3A_8 = arith.addi %mul3A_2, %add3A_7 : i32
    %dma_start3A = tpu.memref_slice %arg2[%add3A_8] : memref<6400000xi32, #tpu.memory_space<hbm>> -> memref<2000xi32, #tpu.memory_space<hbm>>
    %dma_start3A_9 = tpu.memref_slice %arg2[%add3A_8] : memref<6400000xi32, #tpu.memory_space<hbm>> -> memref<2000xi32, #tpu.memory_space<hbm>>
    tpu.enqueue_dma source(%dma_start3A_9 : memref<2000xi32, #tpu.memory_space<hbm>>) target(%arg5 : memref<2000xi32, #tpu.memory_space<vmem>>) target_semaphore(%arg20 : memref<!tpu.dma_semaphore, #tpu.memory_space<semaphore_mem>>)
    %dma_start3A_10 = tpu.memref_slice %arg3[%add3A_8] : memref<6400000xf32, #tpu.memory_space<hbm>> -> memref<2000xf32, #tpu.memory_space<hbm>>
    %dma_start3A_11 = tpu.memref_slice %arg3[%add3A_8] : memref<6400000xf32, #tpu.memory_space<hbm>> -> memref<2000xf32, #tpu.memory_space<hbm>>
    tpu.enqueue_dma source(%dma_start3A_11 : memref<2000xf32, #tpu.memory_space<hbm>>) target(%arg10 : memref<2000xf32, #tpu.memory_space<vmem>>) target_semaphore(%arg20 : memref<!tpu.dma_semaphore, #tpu.memory_space<semaphore_mem>>)
    %add3A_12 = arith.constant 2000 : i32
    %add3A_13 = arith.addi %mul3A_2, %add3A_12 : i32
    %dma_start3A_14 = tpu.memref_slice %arg2[%add3A_13] : memref<6400000xi32, #tpu.memory_space<hbm>> -> memref<2000xi32, #tpu.memory_space<hbm>>
    %dma_start3A_15 = tpu.memref_slice %arg2[%add3A_13] : memref<6400000xi32, #tpu.memory_space<hbm>> -> memref<2000xi32, #tpu.memory_space<hbm>>
    tpu.enqueue_dma source(%dma_start3A_15 : memref<2000xi32, #tpu.memory_space<hbm>>) target(%arg6 : memref<2000xi32, #tpu.memory_space<vmem>>) target_semaphore(%arg21 : memref<!tpu.dma_semaphore, #tpu.memory_space<semaphore_mem>>)
    %dma_start3A_16 = tpu.memref_slice %arg3[%add3A_13] : memref<6400000xf32, #tpu.memory_space<hbm>> -> memref<2000xf32, #tpu.memory_space<hbm>>
    %dma_start3A_17 = tpu.memref_slice %arg3[%add3A_13] : memref<6400000xf32, #tpu.memory_space<hbm>> -> memref<2000xf32, #tpu.memory_space<hbm>>
    tpu.enqueue_dma source(%dma_start3A_17 : memref<2000xf32, #tpu.memory_space<hbm>>) target(%arg11 : memref<2000xf32, #tpu.memory_space<vmem>>) target_semaphore(%arg21 : memref<!tpu.dma_semaphore, #tpu.memory_space<semaphore_mem>>)
    %add3A_18 = arith.constant 4000 : i32
    %add3A_19 = arith.addi %mul3A_2, %add3A_18 : i32
    %dma_start3A_20 = tpu.memref_slice %arg2[%add3A_19] : memref<6400000xi32, #tpu.memory_space<hbm>> -> memref<2000xi32, #tpu.memory_space<hbm>>
    %dma_start3A_21 = tpu.memref_slice %arg2[%add3A_19] : memref<6400000xi32, #tpu.memory_space<hbm>> -> memref<2000xi32, #tpu.memory_space<hbm>>
    tpu.enqueue_dma source(%dma_start3A_21 : memref<2000xi32, #tpu.memory_space<hbm>>) target(%arg7 : memref<2000xi32, #tpu.memory_space<vmem>>) target_semaphore(%arg22 : memref<!tpu.dma_semaphore, #tpu.memory_space<semaphore_mem>>)
    %dma_start3A_22 = tpu.memref_slice %arg3[%add3A_19] : memref<6400000xf32, #tpu.memory_space<hbm>> -> memref<2000xf32, #tpu.memory_space<hbm>>
    %dma_start3A_23 = tpu.memref_slice %arg3[%add3A_19] : memref<6400000xf32, #tpu.memory_space<hbm>> -> memref<2000xf32, #tpu.memory_space<hbm>>
    tpu.enqueue_dma source(%dma_start3A_23 : memref<2000xf32, #tpu.memory_space<hbm>>) target(%arg12 : memref<2000xf32, #tpu.memory_space<vmem>>) target_semaphore(%arg22 : memref<!tpu.dma_semaphore, #tpu.memory_space<semaphore_mem>>)
    %add3A_24 = arith.constant 6000 : i32
    %add3A_25 = arith.addi %mul3A_2, %add3A_24 : i32
    %dma_start3A_26 = tpu.memref_slice %arg2[%add3A_25] : memref<6400000xi32, #tpu.memory_space<hbm>> -> memref<2000xi32, #tpu.memory_space<hbm>>
    %dma_start3A_27 = tpu.memref_slice %arg2[%add3A_25] : memref<6400000xi32, #tpu.memory_space<hbm>> -> memref<2000xi32, #tpu.memory_space<hbm>>
    tpu.enqueue_dma source(%dma_start3A_27 : memref<2000xi32, #tpu.memory_space<hbm>>) target(%arg8 : memref<2000xi32, #tpu.memory_space<vmem>>) target_semaphore(%arg23 : memref<!tpu.dma_semaphore, #tpu.memory_space<semaphore_mem>>)
    %dma_start3A_28 = tpu.memref_slice %arg3[%add3A_25] : memref<6400000xf32, #tpu.memory_space<hbm>> -> memref<2000xf32, #tpu.memory_space<hbm>>
    %dma_start3A_29 = tpu.memref_slice %arg3[%add3A_25] : memref<6400000xf32, #tpu.memory_space<hbm>> -> memref<2000xf32, #tpu.memory_space<hbm>>
    tpu.enqueue_dma source(%dma_start3A_29 : memref<2000xf32, #tpu.memory_space<hbm>>) target(%arg13 : memref<2000xf32, #tpu.memory_space<vmem>>) target_semaphore(%arg23 : memref<!tpu.dma_semaphore, #tpu.memory_space<semaphore_mem>>)
    %parallel_loop3A = arith.constant 0 : i32
    %parallel_loop3A_30 = arith.constant 6272 : i32
    %parallel_loop3A_31 = arith.constant 1 : i32
    scf.for %parallel_loop3A_122 = %parallel_loop3A to %parallel_loop3A_30 step %parallel_loop3A_31  : i32 {
      %parallel_loop3A_123 = arith.constant 16 : i32
      %parallel_loop3A_124 = arith.muli %parallel_loop3A_122, %parallel_loop3A_123 : i32
      %parallel_loop3A_125 = arith.index_cast %parallel_loop3A_124 : i32 to index
      %parallel_loop3A_126 = tpu.vector_load %arg15[%parallel_loop3A_125] {strides = array<i32>} : memref<100352xf32, #tpu.memory_space<vmem>>, vector<16xf32>,
      tpu.vector_store %arg15[%parallel_loop3A_125], %broadcast_in_dim3A_6 {strides = array<i32>} : memref<100352xf32, #tpu.memory_space<vmem>>, vector<16xf32>,
    } {sc.loop_unroll_factor = 8 : i64, sc.parallel_access}
    %mul3A_32 = arith.constant 6272 : i32
    %mul3A_33 = arith.muli %arg1, %mul3A_32 : i32
    "tpu.region"() ({
      %run_scoped3A = tpu.sem_alloc : memref<!tpu.dma_semaphore, #tpu.memory_space<semaphore_mem>>
      %dma_start3A_122 = arith.constant 0 : i32
      %dma_start3A_123 = tpu.memref_slice %arg15[%dma_start3A_122] : memref<100352xf32, #tpu.memory_space<vmem>> -> memref<6272xf32, #tpu.memory_space<vmem>>
      %dma_start3A_124 = tpu.memref_slice %arg19[%mul3A_33] : memref<100352xf32, #tpu.memory_space<vmem_shared>> -> memref<6272xf32, #tpu.memory_space<vmem_shared>>
      %dma_start3A_125 = tpu.memref_slice %arg19[%mul3A_33] : memref<100352xf32, #tpu.memory_space<vmem_shared>> -> memref<6272xf32, #tpu.memory_space<vmem_shared>>
      %dma_start3A_126 = arith.constant 0 : i32
      %dma_start3A_127 = tpu.memref_slice %arg15[%dma_start3A_126] : memref<100352xf32, #tpu.memory_space<vmem>> -> memref<6272xf32, #tpu.memory_space<vmem>>
      tpu.enqueue_dma source(%dma_start3A_127 : memref<6272xf32, #tpu.memory_space<vmem>>) target(%dma_start3A_125 : memref<6272xf32, #tpu.memory_space<vmem_shared>>) target_semaphore(%run_scoped3A : memref<!tpu.dma_semaphore, #tpu.memory_space<semaphore_mem>>)
      %dma_wait3A = arith.constant 0 : i32
      %dma_wait3A_128 = tpu.memref_slice %arg15[%dma_wait3A] : memref<100352xf32, #tpu.memory_space<vmem>> -> memref<6272xf32, #tpu.memory_space<vmem>>
      %dma_wait3A_129 = tpu.memref_slice %arg19[%mul3A_33] : memref<100352xf32, #tpu.memory_space<vmem_shared>> -> memref<6272xf32, #tpu.memory_space<vmem_shared>>
      %dma_wait3A_130 = tpu.memref_slice %arg19[%mul3A_33] : memref<100352xf32, #tpu.memory_space<vmem_shared>> -> memref<6272xf32, #tpu.memory_space<vmem_shared>>
      %dma_wait3A_131 = arith.constant 0 : i32
      %dma_wait3A_132 = tpu.memref_slice %arg15[%dma_wait3A_131] : memref<100352xf32, #tpu.memory_space<vmem>> -> memref<6272xf32, #tpu.memory_space<vmem>>
      tpu.wait_dma2 semaphore(%run_scoped3A : memref<!tpu.dma_semaphore, #tpu.memory_space<semaphore_mem>>) src(%dma_wait3A_132 : memref<6272xf32, #tpu.memory_space<vmem>>) dst(%dma_wait3A_130 : memref<6272xf32, #tpu.memory_space<vmem_shared>>)
      tpu.yield
    }) : () -> ()
    %barrier3A = arith.constant 0 : index
    tpu.barrier barrier_id(%barrier3A)
    %broadcast_in_dim3A_34 = arith.constant 0 : i32
    %broadcast_in_dim3A_35 = vector.broadcast %broadcast_in_dim3A_34 : i32 to vector<16xi32>
    %broadcast_in_dim3A_36 = arith.constant 0.000000e+00 : f32
    %broadcast_in_dim3A_37 = vector.broadcast %broadcast_in_dim3A_36 : f32 to vector<16xf32>
    %scan3A = arith.constant 0 : i32
    %scan3A_38 = arith.constant 20 : i32
    %scan3A_39 = arith.addi %scan3A, %scan3A_38 : i32
    %scan3A_40 = arith.constant 1 : i32
    %scan3A_41:2 = scf.for %scan3A_122 = %scan3A to %scan3A_39 step %scan3A_40 iter_args(%scan3A_123 = %broadcast_in_dim3A_35, %scan3A_124 = %broadcast_in_dim3A_37) -> (vector<16xi32>, vector<16xf32>)  : i32 {
      %mul3A_125 = arith.constant 5 : i32
      %mul3A_126 = arith.muli %mul3A_125, %scan3A_122 : i32
      %add3A_127 = arith.constant 0 : i32
      %add3A_128 = arith.addi %mul3A_126, %add3A_127 : i32
      %dma_wait3A = arith.constant 0 : i32
      %dma_wait3A_129 = tpu.memref_slice %arg2[%dma_wait3A] : memref<6400000xi32, #tpu.memory_space<hbm>> -> memref<2000xi32, #tpu.memory_space<hbm>>
      %dma_wait3A_130 = arith.constant 0 : i32
      %dma_wait3A_131 = tpu.memref_slice %arg2[%dma_wait3A_130] : memref<6400000xi32, #tpu.memory_space<hbm>> -> memref<2000xi32, #tpu.memory_space<hbm>>
      tpu.wait_dma2 semaphore(%arg20 : memref<!tpu.dma_semaphore, #tpu.memory_space<semaphore_mem>>) src(%dma_wait3A_131 : memref<2000xi32, #tpu.memory_space<hbm>>) dst(%arg5 : memref<2000xi32, #tpu.memory_space<vmem>>)
      %dma_wait3A_132 = arith.constant 0 : i32
      %dma_wait3A_133 = tpu.memref_slice %arg3[%dma_wait3A_132] : memref<6400000xf32, #tpu.memory_space<hbm>> -> memref<2000xf32, #tpu.memory_space<hbm>>
      %dma_wait3A_134 = arith.constant 0 : i32
      %dma_wait3A_135 = tpu.memref_slice %arg3[%dma_wait3A_134] : memref<6400000xf32, #tpu.memory_space<hbm>> -> memref<2000xf32, #tpu.memory_space<hbm>>
      tpu.wait_dma2 semaphore(%arg20 : memref<!tpu.dma_semaphore, #tpu.memory_space<semaphore_mem>>) src(%dma_wait3A_135 : memref<2000xf32, #tpu.memory_space<hbm>>) dst(%arg10 : memref<2000xf32, #tpu.memory_space<vmem>>)
      %parallel_loop3A_136 = arith.constant 0 : i32
      %parallel_loop3A_137 = arith.constant 125 : i32
      %parallel_loop3A_138 = arith.constant 1 : i32
      %parallel_loop3A_139:2 = scf.for %parallel_loop3A_246 = %parallel_loop3A_136 to %parallel_loop3A_137 step %parallel_loop3A_138 iter_args(%parallel_loop3A_247 = %scan3A_123, %parallel_loop3A_248 = %scan3A_124) -> (vector<16xi32>, vector<16xf32>)  : i32 {
        %parallel_loop3A_249 = vector.broadcast %parallel_loop3A_246 : i32 to vector<16xi32>
        %parallel_loop3A_250 = arith.addi %mul3A_5, %parallel_loop3A_249 : vector<16xi32>
        %parallel_loop3A_251 = tpu.vector_load_idx %arg5[%parallel_loop3A_250] : memref<2000xi32, #tpu.memory_space<vmem>>[vector<16xi32>], vector<16xi32>,
        %parallel_loop3A_252 = tpu.vector_load_idx %arg10[%parallel_loop3A_250] : memref<2000xf32, #tpu.memory_space<vmem>>[vector<16xi32>], vector<16xf32>,
        %parallel_loop3A_253 = arith.cmpi ne, %parallel_loop3A_251, %parallel_loop3A_247 : vector<16xi32>
        tpu.vector_store_idx %arg15[%parallel_loop3A_247], %parallel_loop3A_248 masked %parallel_loop3A_253 {add = true} : memref<100352xf32, #tpu.memory_space<vmem>>[vector<16xi32>], vector<16xf32>, vector<16xi1>
        %parallel_loop3A_254 = arith.addf %parallel_loop3A_248, %parallel_loop3A_252 : vector<16xf32>
        %parallel_loop3A_255 = arith.select %parallel_loop3A_253, %parallel_loop3A_252, %parallel_loop3A_254 : vector<16xi1>, vector<16xf32>
        scf.yield %parallel_loop3A_251, %parallel_loop3A_255 : vector<16xi32>, vector<16xf32>
      } {sc.loop_unroll_factor = 4 : i64, sc.parallel_access}
      %add3A_140 = arith.constant 5 : i32
      %add3A_141 = arith.addi %add3A_128, %add3A_140 : i32
      %sub3A_142 = arith.constant 1 : i32
      %sub3A_143 = arith.subi %add3A_141, %sub3A_142 : i32
      %lt3A = arith.constant 100 : i32
      %lt3A_144 = arith.cmpi slt, %sub3A_143, %lt3A : i32
      %convert_element_type3A = arith.extui %lt3A_144 : i1 to i32
      %cond3A = arith.constant 0 : i32
      %cond3A_145 = arith.cmpi ne, %convert_element_type3A, %cond3A : i32
      scf.if %cond3A_145 {
        %add3A_246 = arith.constant 5 : i32
        %add3A_247 = arith.addi %add3A_128, %add3A_246 : i32
        %sub3A_248 = arith.constant 1 : i32
        %sub3A_249 = arith.subi %add3A_247, %sub3A_248 : i32
        %mul3A_250 = arith.constant 2000 : i32
        %mul3A_251 = arith.muli %sub3A_249, %mul3A_250 : i32
        %add3A_252 = arith.addi %mul3A_2, %mul3A_251 : i32
        %dma_start3A_253 = tpu.memref_slice %arg2[%add3A_252] : memref<6400000xi32, #tpu.memory_space<hbm>> -> memref<2000xi32, #tpu.memory_space<hbm>>
        %dma_start3A_254 = tpu.memref_slice %arg2[%add3A_252] : memref<6400000xi32, #tpu.memory_space<hbm>> -> memref<2000xi32, #tpu.memory_space<hbm>>
        tpu.enqueue_dma source(%dma_start3A_254 : memref<2000xi32, #tpu.memory_space<hbm>>) target(%arg9 : memref<2000xi32, #tpu.memory_space<vmem>>) target_semaphore(%arg24 : memref<!tpu.dma_semaphore, #tpu.memory_space<semaphore_mem>>)
        %dma_start3A_255 = tpu.memref_slice %arg3[%add3A_252] : memref<6400000xf32, #tpu.memory_space<hbm>> -> memref<2000xf32, #tpu.memory_space<hbm>>
        %dma_start3A_256 = tpu.memref_slice %arg3[%add3A_252] : memref<6400000xf32, #tpu.memory_space<hbm>> -> memref<2000xf32, #tpu.memory_space<hbm>>
        tpu.enqueue_dma source(%dma_start3A_256 : memref<2000xf32, #tpu.memory_space<hbm>>) target(%arg14 : memref<2000xf32, #tpu.memory_space<vmem>>) target_semaphore(%arg24 : memref<!tpu.dma_semaphore, #tpu.memory_space<semaphore_mem>>)
      } else {
      }
      %mul3A_146 = arith.constant 5 : i32
      %mul3A_147 = arith.muli %mul3A_146, %scan3A_122 : i32
      %add3A_148 = arith.constant 1 : i32
      %add3A_149 = arith.addi %mul3A_147, %add3A_148 : i32
      %dma_wait3A_150 = arith.constant 0 : i32
      %dma_wait3A_151 = tpu.memref_slice %arg2[%dma_wait3A_150] : memref<6400000xi32, #tpu.memory_space<hbm>> -> memref<2000xi32, #tpu.memory_space<hbm>>
      %dma_wait3A_152 = arith.constant 0 : i32
      %dma_wait3A_153 = tpu.memref_slice %arg2[%dma_wait3A_152] : memref<6400000xi32, #tpu.memory_space<hbm>> -> memref<2000xi32, #tpu.memory_space<hbm>>
      tpu.wait_dma2 semaphore(%arg21 : memref<!tpu.dma_semaphore, #tpu.memory_space<semaphore_mem>>) src(%dma_wait3A_153 : memref<2000xi32, #tpu.memory_space<hbm>>) dst(%arg6 : memref<2000xi32, #tpu.memory_space<vmem>>)
      %dma_wait3A_154 = arith.constant 0 : i32
      %dma_wait3A_155 = tpu.memref_slice %arg3[%dma_wait3A_154] : memref<6400000xf32, #tpu.memory_space<hbm>> -> memref<2000xf32, #tpu.memory_space<hbm>>
      %dma_wait3A_156 = arith.constant 0 : i32
      %dma_wait3A_157 = tpu.memref_slice %arg3[%dma_wait3A_156] : memref<6400000xf32, #tpu.memory_space<hbm>> -> memref<2000xf32, #tpu.memory_space<hbm>>
      tpu.wait_dma2 semaphore(%arg21 : memref<!tpu.dma_semaphore, #tpu.memory_space<semaphore_mem>>) src(%dma_wait3A_157 : memref<2000xf32, #tpu.memory_space<hbm>>) dst(%arg11 : memref<2000xf32, #tpu.memory_space<vmem>>)
      %parallel_loop3A_158 = arith.constant 0 : i32
      %parallel_loop3A_159 = arith.constant 125 : i32
      %parallel_loop3A_160 = arith.constant 1 : i32
      %parallel_loop3A_161:2 = scf.for %parallel_loop3A_246 = %parallel_loop3A_158 to %parallel_loop3A_159 step %parallel_loop3A_160 iter_args(%parallel_loop3A_247 = %parallel_loop3A_139#0, %parallel_loop3A_248 = %parallel_loop3A_139#1) -> (vector<16xi32>, vector<16xf32>)  : i32 {
        %parallel_loop3A_249 = vector.broadcast %parallel_loop3A_246 : i32 to vector<16xi32>
        %parallel_loop3A_250 = arith.addi %mul3A_5, %parallel_loop3A_249 : vector<16xi32>
        %parallel_loop3A_251 = tpu.vector_load_idx %arg6[%parallel_loop3A_250] : memref<2000xi32, #tpu.memory_space<vmem>>[vector<16xi32>], vector<16xi32>,
        %parallel_loop3A_252 = tpu.vector_load_idx %arg11[%parallel_loop3A_250] : memref<2000xf32, #tpu.memory_space<vmem>>[vector<16xi32>], vector<16xf32>,
        %parallel_loop3A_253 = arith.cmpi ne, %parallel_loop3A_251, %parallel_loop3A_247 : vector<16xi32>
        tpu.vector_store_idx %arg15[%parallel_loop3A_247], %parallel_loop3A_248 masked %parallel_loop3A_253 {add = true} : memref<100352xf32, #tpu.memory_space<vmem>>[vector<16xi32>], vector<16xf32>, vector<16xi1>
        %parallel_loop3A_254 = arith.addf %parallel_loop3A_248, %parallel_loop3A_252 : vector<16xf32>
        %parallel_loop3A_255 = arith.select %parallel_loop3A_253, %parallel_loop3A_252, %parallel_loop3A_254 : vector<16xi1>, vector<16xf32>
        scf.yield %parallel_loop3A_251, %parallel_loop3A_255 : vector<16xi32>, vector<16xf32>
      } {sc.loop_unroll_factor = 4 : i64, sc.parallel_access}
      %add3A_162 = arith.constant 5 : i32
      %add3A_163 = arith.addi %add3A_149, %add3A_162 : i32
      %sub3A_164 = arith.constant 1 : i32
      %sub3A_165 = arith.subi %add3A_163, %sub3A_164 : i32
      %lt3A_166 = arith.constant 100 : i32
      %lt3A_167 = arith.cmpi slt, %sub3A_165, %lt3A_166 : i32
      %convert_element_type3A_168 = arith.extui %lt3A_167 : i1 to i32
      %cond3A_169 = arith.constant 0 : i32
      %cond3A_170 = arith.cmpi ne, %convert_element_type3A_168, %cond3A_169 : i32
      scf.if %cond3A_170 {
        %add3A_246 = arith.constant 5 : i32
        %add3A_247 = arith.addi %add3A_149, %add3A_246 : i32
        %sub3A_248 = arith.constant 1 : i32
        %sub3A_249 = arith.subi %add3A_247, %sub3A_248 : i32
        %mul3A_250 = arith.constant 2000 : i32
        %mul3A_251 = arith.muli %sub3A_249, %mul3A_250 : i32
        %add3A_252 = arith.addi %mul3A_2, %mul3A_251 : i32
        %dma_start3A_253 = tpu.memref_slice %arg2[%add3A_252] : memref<6400000xi32, #tpu.memory_space<hbm>> -> memref<2000xi32, #tpu.memory_space<hbm>>
        %dma_start3A_254 = tpu.memref_slice %arg2[%add3A_252] : memref<6400000xi32, #tpu.memory_space<hbm>> -> memref<2000xi32, #tpu.memory_space<hbm>>
        tpu.enqueue_dma source(%dma_start3A_254 : memref<2000xi32, #tpu.memory_space<hbm>>) target(%arg5 : memref<2000xi32, #tpu.memory_space<vmem>>) target_semaphore(%arg20 : memref<!tpu.dma_semaphore, #tpu.memory_space<semaphore_mem>>)
        %dma_start3A_255 = tpu.memref_slice %arg3[%add3A_252] : memref<6400000xf32, #tpu.memory_space<hbm>> -> memref<2000xf32, #tpu.memory_space<hbm>>
        %dma_start3A_256 = tpu.memref_slice %arg3[%add3A_252] : memref<6400000xf32, #tpu.memory_space<hbm>> -> memref<2000xf32, #tpu.memory_space<hbm>>
        tpu.enqueue_dma source(%dma_start3A_256 : memref<2000xf32, #tpu.memory_space<hbm>>) target(%arg10 : memref<2000xf32, #tpu.memory_space<vmem>>) target_semaphore(%arg20 : memref<!tpu.dma_semaphore, #tpu.memory_space<semaphore_mem>>)
      } else {
      }
      %mul3A_171 = arith.constant 5 : i32
      %mul3A_172 = arith.muli %mul3A_171, %scan3A_122 : i32
      %add3A_173 = arith.constant 2 : i32
      %add3A_174 = arith.addi %mul3A_172, %add3A_173 : i32
      %dma_wait3A_175 = arith.constant 0 : i32
      %dma_wait3A_176 = tpu.memref_slice %arg2[%dma_wait3A_175] : memref<6400000xi32, #tpu.memory_space<hbm>> -> memref<2000xi32, #tpu.memory_space<hbm>>
      %dma_wait3A_177 = arith.constant 0 : i32
      %dma_wait3A_178 = tpu.memref_slice %arg2[%dma_wait3A_177] : memref<6400000xi32, #tpu.memory_space<hbm>> -> memref<2000xi32, #tpu.memory_space<hbm>>
      tpu.wait_dma2 semaphore(%arg22 : memref<!tpu.dma_semaphore, #tpu.memory_space<semaphore_mem>>) src(%dma_wait3A_178 : memref<2000xi32, #tpu.memory_space<hbm>>) dst(%arg7 : memref<2000xi32, #tpu.memory_space<vmem>>)
      %dma_wait3A_179 = arith.constant 0 : i32
      %dma_wait3A_180 = tpu.memref_slice %arg3[%dma_wait3A_179] : memref<6400000xf32, #tpu.memory_space<hbm>> -> memref<2000xf32, #tpu.memory_space<hbm>>
      %dma_wait3A_181 = arith.constant 0 : i32
      %dma_wait3A_182 = tpu.memref_slice %arg3[%dma_wait3A_181] : memref<6400000xf32, #tpu.memory_space<hbm>> -> memref<2000xf32, #tpu.memory_space<hbm>>
      tpu.wait_dma2 semaphore(%arg22 : memref<!tpu.dma_semaphore, #tpu.memory_space<semaphore_mem>>) src(%dma_wait3A_182 : memref<2000xf32, #tpu.memory_space<hbm>>) dst(%arg12 : memref<2000xf32, #tpu.memory_space<vmem>>)
      %parallel_loop3A_183 = arith.constant 0 : i32
      %parallel_loop3A_184 = arith.constant 125 : i32
      %parallel_loop3A_185 = arith.constant 1 : i32
      %parallel_loop3A_186:2 = scf.for %parallel_loop3A_246 = %parallel_loop3A_183 to %parallel_loop3A_184 step %parallel_loop3A_185 iter_args(%parallel_loop3A_247 = %parallel_loop3A_161#0, %parallel_loop3A_248 = %parallel_loop3A_161#1) -> (vector<16xi32>, vector<16xf32>)  : i32 {
        %parallel_loop3A_249 = vector.broadcast %parallel_loop3A_246 : i32 to vector<16xi32>
        %parallel_loop3A_250 = arith.addi %mul3A_5, %parallel_loop3A_249 : vector<16xi32>
        %parallel_loop3A_251 = tpu.vector_load_idx %arg7[%parallel_loop3A_250] : memref<2000xi32, #tpu.memory_space<vmem>>[vector<16xi32>], vector<16xi32>,
        %parallel_loop3A_252 = tpu.vector_load_idx %arg12[%parallel_loop3A_250] : memref<2000xf32, #tpu.memory_space<vmem>>[vector<16xi32>], vector<16xf32>,
        %parallel_loop3A_253 = arith.cmpi ne, %parallel_loop3A_251, %parallel_loop3A_247 : vector<16xi32>
        tpu.vector_store_idx %arg15[%parallel_loop3A_247], %parallel_loop3A_248 masked %parallel_loop3A_253 {add = true} : memref<100352xf32, #tpu.memory_space<vmem>>[vector<16xi32>], vector<16xf32>, vector<16xi1>
        %parallel_loop3A_254 = arith.addf %parallel_loop3A_248, %parallel_loop3A_252 : vector<16xf32>
        %parallel_loop3A_255 = arith.select %parallel_loop3A_253, %parallel_loop3A_252, %parallel_loop3A_254 : vector<16xi1>, vector<16xf32>
        scf.yield %parallel_loop3A_251, %parallel_loop3A_255 : vector<16xi32>, vector<16xf32>
      } {sc.loop_unroll_factor = 4 : i64, sc.parallel_access}
      %add3A_187 = arith.constant 5 : i32
      %add3A_188 = arith.addi %add3A_174, %add3A_187 : i32
      %sub3A_189 = arith.constant 1 : i32
      %sub3A_190 = arith.subi %add3A_188, %sub3A_189 : i32
      %lt3A_191 = arith.constant 100 : i32
      %lt3A_192 = arith.cmpi slt, %sub3A_190, %lt3A_191 : i32
      %convert_element_type3A_193 = arith.extui %lt3A_192 : i1 to i32
      %cond3A_194 = arith.constant 0 : i32
      %cond3A_195 = arith.cmpi ne, %convert_element_type3A_193, %cond3A_194 : i32
      scf.if %cond3A_195 {
        %add3A_246 = arith.constant 5 : i32
        %add3A_247 = arith.addi %add3A_174, %add3A_246 : i32
        %sub3A_248 = arith.constant 1 : i32
        %sub3A_249 = arith.subi %add3A_247, %sub3A_248 : i32
        %mul3A_250 = arith.constant 2000 : i32
        %mul3A_251 = arith.muli %sub3A_249, %mul3A_250 : i32
        %add3A_252 = arith.addi %mul3A_2, %mul3A_251 : i32
        %dma_start3A_253 = tpu.memref_slice %arg2[%add3A_252] : memref<6400000xi32, #tpu.memory_space<hbm>> -> memref<2000xi32, #tpu.memory_space<hbm>>
        %dma_start3A_254 = tpu.memref_slice %arg2[%add3A_252] : memref<6400000xi32, #tpu.memory_space<hbm>> -> memref<2000xi32, #tpu.memory_space<hbm>>
        tpu.enqueue_dma source(%dma_start3A_254 : memref<2000xi32, #tpu.memory_space<hbm>>) target(%arg6 : memref<2000xi32, #tpu.memory_space<vmem>>) target_semaphore(%arg21 : memref<!tpu.dma_semaphore, #tpu.memory_space<semaphore_mem>>)
        %dma_start3A_255 = tpu.memref_slice %arg3[%add3A_252] : memref<6400000xf32, #tpu.memory_space<hbm>> -> memref<2000xf32, #tpu.memory_space<hbm>>
        %dma_start3A_256 = tpu.memref_slice %arg3[%add3A_252] : memref<6400000xf32, #tpu.memory_space<hbm>> -> memref<2000xf32, #tpu.memory_space<hbm>>
        tpu.enqueue_dma source(%dma_start3A_256 : memref<2000xf32, #tpu.memory_space<hbm>>) target(%arg11 : memref<2000xf32, #tpu.memory_space<vmem>>) target_semaphore(%arg21 : memref<!tpu.dma_semaphore, #tpu.memory_space<semaphore_mem>>)
      } else {
      }
      %mul3A_196 = arith.constant 5 : i32
      %mul3A_197 = arith.muli %mul3A_196, %scan3A_122 : i32
      %add3A_198 = arith.constant 3 : i32
      %add3A_199 = arith.addi %mul3A_197, %add3A_198 : i32
      %dma_wait3A_200 = arith.constant 0 : i32
      %dma_wait3A_201 = tpu.memref_slice %arg2[%dma_wait3A_200] : memref<6400000xi32, #tpu.memory_space<hbm>> -> memref<2000xi32, #tpu.memory_space<hbm>>
      %dma_wait3A_202 = arith.constant 0 : i32
      %dma_wait3A_203 = tpu.memref_slice %arg2[%dma_wait3A_202] : memref<6400000xi32, #tpu.memory_space<hbm>> -> memref<2000xi32, #tpu.memory_space<hbm>>
      tpu.wait_dma2 semaphore(%arg23 : memref<!tpu.dma_semaphore, #tpu.memory_space<semaphore_mem>>) src(%dma_wait3A_203 : memref<2000xi32, #tpu.memory_space<hbm>>) dst(%arg8 : memref<2000xi32, #tpu.memory_space<vmem>>)
      %dma_wait3A_204 = arith.constant 0 : i32
      %dma_wait3A_205 = tpu.memref_slice %arg3[%dma_wait3A_204] : memref<6400000xf32, #tpu.memory_space<hbm>> -> memref<2000xf32, #tpu.memory_space<hbm>>
      %dma_wait3A_206 = arith.constant 0 : i32
      %dma_wait3A_207 = tpu.memref_slice %arg3[%dma_wait3A_206] : memref<6400000xf32, #tpu.memory_space<hbm>> -> memref<2000xf32, #tpu.memory_space<hbm>>
      tpu.wait_dma2 semaphore(%arg23 : memref<!tpu.dma_semaphore, #tpu.memory_space<semaphore_mem>>) src(%dma_wait3A_207 : memref<2000xf32, #tpu.memory_space<hbm>>) dst(%arg13 : memref<2000xf32, #tpu.memory_space<vmem>>)
      %parallel_loop3A_208 = arith.constant 0 : i32
      %parallel_loop3A_209 = arith.constant 125 : i32
      %parallel_loop3A_210 = arith.constant 1 : i32
      %parallel_loop3A_211:2 = scf.for %parallel_loop3A_246 = %parallel_loop3A_208 to %parallel_loop3A_209 step %parallel_loop3A_210 iter_args(%parallel_loop3A_247 = %parallel_loop3A_186#0, %parallel_loop3A_248 = %parallel_loop3A_186#1) -> (vector<16xi32>, vector<16xf32>)  : i32 {
        %parallel_loop3A_249 = vector.broadcast %parallel_loop3A_246 : i32 to vector<16xi32>
        %parallel_loop3A_250 = arith.addi %mul3A_5, %parallel_loop3A_249 : vector<16xi32>
        %parallel_loop3A_251 = tpu.vector_load_idx %arg8[%parallel_loop3A_250] : memref<2000xi32, #tpu.memory_space<vmem>>[vector<16xi32>], vector<16xi32>,
        %parallel_loop3A_252 = tpu.vector_load_idx %arg13[%parallel_loop3A_250] : memref<2000xf32, #tpu.memory_space<vmem>>[vector<16xi32>], vector<16xf32>,
        %parallel_loop3A_253 = arith.cmpi ne, %parallel_loop3A_251, %parallel_loop3A_247 : vector<16xi32>
        tpu.vector_store_idx %arg15[%parallel_loop3A_247], %parallel_loop3A_248 masked %parallel_loop3A_253 {add = true} : memref<100352xf32, #tpu.memory_space<vmem>>[vector<16xi32>], vector<16xf32>, vector<16xi1>
        %parallel_loop3A_254 = arith.addf %parallel_loop3A_248, %parallel_loop3A_252 : vector<16xf32>
        %parallel_loop3A_255 = arith.select %parallel_loop3A_253, %parallel_loop3A_252, %parallel_loop3A_254 : vector<16xi1>, vector<16xf32>
        scf.yield %parallel_loop3A_251, %parallel_loop3A_255 : vector<16xi32>, vector<16xf32>
      } {sc.loop_unroll_factor = 4 : i64, sc.parallel_access}
      %add3A_212 = arith.constant 5 : i32
      %add3A_213 = arith.addi %add3A_199, %add3A_212 : i32
      %sub3A_214 = arith.constant 1 : i32
      %sub3A_215 = arith.subi %add3A_213, %sub3A_214 : i32
      %lt3A_216 = arith.constant 100 : i32
      %lt3A_217 = arith.cmpi slt, %sub3A_215, %lt3A_216 : i32
      %convert_element_type3A_218 = arith.extui %lt3A_217 : i1 to i32
      %cond3A_219 = arith.constant 0 : i32
      %cond3A_220 = arith.cmpi ne, %convert_element_type3A_218, %cond3A_219 : i32
      scf.if %cond3A_220 {
        %add3A_246 = arith.constant 5 : i32
        %add3A_247 = arith.addi %add3A_199, %add3A_246 : i32
        %sub3A_248 = arith.constant 1 : i32
        %sub3A_249 = arith.subi %add3A_247, %sub3A_248 : i32
        %mul3A_250 = arith.constant 2000 : i32
        %mul3A_251 = arith.muli %sub3A_249, %mul3A_250 : i32
        %add3A_252 = arith.addi %mul3A_2, %mul3A_251 : i32
        %dma_start3A_253 = tpu.memref_slice %arg2[%add3A_252] : memref<6400000xi32, #tpu.memory_space<hbm>> -> memref<2000xi32, #tpu.memory_space<hbm>>
        %dma_start3A_254 = tpu.memref_slice %arg2[%add3A_252] : memref<6400000xi32, #tpu.memory_space<hbm>> -> memref<2000xi32, #tpu.memory_space<hbm>>
        tpu.enqueue_dma source(%dma_start3A_254 : memref<2000xi32, #tpu.memory_space<hbm>>) target(%arg7 : memref<2000xi32, #tpu.memory_space<vmem>>) target_semaphore(%arg22 : memref<!tpu.dma_semaphore, #tpu.memory_space<semaphore_mem>>)
        %dma_start3A_255 = tpu.memref_slice %arg3[%add3A_252] : memref<6400000xf32, #tpu.memory_space<hbm>> -> memref<2000xf32, #tpu.memory_space<hbm>>
        %dma_start3A_256 = tpu.memref_slice %arg3[%add3A_252] : memref<6400000xf32, #tpu.memory_space<hbm>> -> memref<2000xf32, #tpu.memory_space<hbm>>
        tpu.enqueue_dma source(%dma_start3A_256 : memref<2000xf32, #tpu.memory_space<hbm>>) target(%arg12 : memref<2000xf32, #tpu.memory_space<vmem>>) target_semaphore(%arg22 : memref<!tpu.dma_semaphore, #tpu.memory_space<semaphore_mem>>)
      } else {
      }
      %mul3A_221 = arith.constant 5 : i32
      %mul3A_222 = arith.muli %mul3A_221, %scan3A_122 : i32
      %add3A_223 = arith.constant 4 : i32
      %add3A_224 = arith.addi %mul3A_222, %add3A_223 : i32
      %dma_wait3A_225 = arith.constant 0 : i32
      %dma_wait3A_226 = tpu.memref_slice %arg2[%dma_wait3A_225] : memref<6400000xi32, #tpu.memory_space<hbm>> -> memref<2000xi32, #tpu.memory_space<hbm>>
      %dma_wait3A_227 = arith.constant 0 : i32
      %dma_wait3A_228 = tpu.memref_slice %arg2[%dma_wait3A_227] : memref<6400000xi32, #tpu.memory_space<hbm>> -> memref<2000xi32, #tpu.memory_space<hbm>>
      tpu.wait_dma2 semaphore(%arg24 : memref<!tpu.dma_semaphore, #tpu.memory_space<semaphore_mem>>) src(%dma_wait3A_228 : memref<2000xi32, #tpu.memory_space<hbm>>) dst(%arg9 : memref<2000xi32, #tpu.memory_space<vmem>>)
      %dma_wait3A_229 = arith.constant 0 : i32
      %dma_wait3A_230 = tpu.memref_slice %arg3[%dma_wait3A_229] : memref<6400000xf32, #tpu.memory_space<hbm>> -> memref<2000xf32, #tpu.memory_space<hbm>>
      %dma_wait3A_231 = arith.constant 0 : i32
      %dma_wait3A_232 = tpu.memref_slice %arg3[%dma_wait3A_231] : memref<6400000xf32, #tpu.memory_space<hbm>> -> memref<2000xf32, #tpu.memory_space<hbm>>
      tpu.wait_dma2 semaphore(%arg24 : memref<!tpu.dma_semaphore, #tpu.memory_space<semaphore_mem>>) src(%dma_wait3A_232 : memref<2000xf32, #tpu.memory_space<hbm>>) dst(%arg14 : memref<2000xf32, #tpu.memory_space<vmem>>)
      %parallel_loop3A_233 = arith.constant 0 : i32
      %parallel_loop3A_234 = arith.constant 125 : i32
      %parallel_loop3A_235 = arith.constant 1 : i32
      %parallel_loop3A_236:2 = scf.for %parallel_loop3A_246 = %parallel_loop3A_233 to %parallel_loop3A_234 step %parallel_loop3A_235 iter_args(%parallel_loop3A_247 = %parallel_loop3A_211#0, %parallel_loop3A_248 = %parallel_loop3A_211#1) -> (vector<16xi32>, vector<16xf32>)  : i32 {
        %parallel_loop3A_249 = vector.broadcast %parallel_loop3A_246 : i32 to vector<16xi32>
        %parallel_loop3A_250 = arith.addi %mul3A_5, %parallel_loop3A_249 : vector<16xi32>
        %parallel_loop3A_251 = tpu.vector_load_idx %arg9[%parallel_loop3A_250] : memref<2000xi32, #tpu.memory_space<vmem>>[vector<16xi32>], vector<16xi32>,
        %parallel_loop3A_252 = tpu.vector_load_idx %arg14[%parallel_loop3A_250] : memref<2000xf32, #tpu.memory_space<vmem>>[vector<16xi32>], vector<16xf32>,
        %parallel_loop3A_253 = arith.cmpi ne, %parallel_loop3A_251, %parallel_loop3A_247 : vector<16xi32>
        tpu.vector_store_idx %arg15[%parallel_loop3A_247], %parallel_loop3A_248 masked %parallel_loop3A_253 {add = true} : memref<100352xf32, #tpu.memory_space<vmem>>[vector<16xi32>], vector<16xf32>, vector<16xi1>
        %parallel_loop3A_254 = arith.addf %parallel_loop3A_248, %parallel_loop3A_252 : vector<16xf32>
        %parallel_loop3A_255 = arith.select %parallel_loop3A_253, %parallel_loop3A_252, %parallel_loop3A_254 : vector<16xi1>, vector<16xf32>
        scf.yield %parallel_loop3A_251, %parallel_loop3A_255 : vector<16xi32>, vector<16xf32>
      } {sc.loop_unroll_factor = 4 : i64, sc.parallel_access}
      %add3A_237 = arith.constant 5 : i32
      %add3A_238 = arith.addi %add3A_224, %add3A_237 : i32
      %sub3A_239 = arith.constant 1 : i32
      %sub3A_240 = arith.subi %add3A_238, %sub3A_239 : i32
      %lt3A_241 = arith.constant 100 : i32
      %lt3A_242 = arith.cmpi slt, %sub3A_240, %lt3A_241 : i32
      %convert_element_type3A_243 = arith.extui %lt3A_242 : i1 to i32
      %cond3A_244 = arith.constant 0 : i32
      %cond3A_245 = arith.cmpi ne, %convert_element_type3A_243, %cond3A_244 : i32
      scf.if %cond3A_245 {
        %add3A_246 = arith.constant 5 : i32
        %add3A_247 = arith.addi %add3A_224, %add3A_246 : i32
        %sub3A_248 = arith.constant 1 : i32
        %sub3A_249 = arith.subi %add3A_247, %sub3A_248 : i32
        %mul3A_250 = arith.constant 2000 : i32
        %mul3A_251 = arith.muli %sub3A_249, %mul3A_250 : i32
        %add3A_252 = arith.addi %mul3A_2, %mul3A_251 : i32
        %dma_start3A_253 = tpu.memref_slice %arg2[%add3A_252] : memref<6400000xi32, #tpu.memory_space<hbm>> -> memref<2000xi32, #tpu.memory_space<hbm>>
        %dma_start3A_254 = tpu.memref_slice %arg2[%add3A_252] : memref<6400000xi32, #tpu.memory_space<hbm>> -> memref<2000xi32, #tpu.memory_space<hbm>>
        tpu.enqueue_dma source(%dma_start3A_254 : memref<2000xi32, #tpu.memory_space<hbm>>) target(%arg8 : memref<2000xi32, #tpu.memory_space<vmem>>) target_semaphore(%arg23 : memref<!tpu.dma_semaphore, #tpu.memory_space<semaphore_mem>>)
        %dma_start3A_255 = tpu.memref_slice %arg3[%add3A_252] : memref<6400000xf32, #tpu.memory_space<hbm>> -> memref<2000xf32, #tpu.memory_space<hbm>>
        %dma_start3A_256 = tpu.memref_slice %arg3[%add3A_252] : memref<6400000xf32, #tpu.memory_space<hbm>> -> memref<2000xf32, #tpu.memory_space<hbm>>
        tpu.enqueue_dma source(%dma_start3A_256 : memref<2000xf32, #tpu.memory_space<hbm>>) target(%arg13 : memref<2000xf32, #tpu.memory_space<vmem>>) target_semaphore(%arg23 : memref<!tpu.dma_semaphore, #tpu.memory_space<semaphore_mem>>)
      } else {
      }
      scf.yield %parallel_loop3A_236#0, %parallel_loop3A_236#1 : vector<16xi32>, vector<16xf32>
    }
    %scan3A_42 = arith.constant 20 : i32
    tpu.vector_store_idx %arg15[%scan3A_41#0], %scan3A_41#1 {add = true} : memref<100352xf32, #tpu.memory_space<vmem>>[vector<16xi32>], vector<16xf32>,
    "tpu.region"() ({
      %run_scoped3A = tpu.sem_alloc : memref<!tpu.dma_semaphore, #tpu.memory_space<semaphore_mem>>
      %dma_start3A_122 = tpu.memref_slice %arg2[%mul3A_2] : memref<6400000xi32, #tpu.memory_space<hbm>> -> memref<16xi32, #tpu.memory_space<hbm>>
      %dma_start3A_123 = tpu.memref_slice %arg2[%mul3A_2] : memref<6400000xi32, #tpu.memory_space<hbm>> -> memref<16xi32, #tpu.memory_space<hbm>>
      tpu.enqueue_dma source(%dma_start3A_123 : memref<16xi32, #tpu.memory_space<hbm>>) target(%arg17 : memref<16xi32, #tpu.memory_space<vmem>>) target_semaphore(%run_scoped3A : memref<!tpu.dma_semaphore, #tpu.memory_space<semaphore_mem>>)
      %dma_wait3A = tpu.memref_slice %arg2[%mul3A_2] : memref<6400000xi32, #tpu.memory_space<hbm>> -> memref<16xi32, #tpu.memory_space<hbm>>
      %dma_wait3A_124 = tpu.memref_slice %arg2[%mul3A_2] : memref<6400000xi32, #tpu.memory_space<hbm>> -> memref<16xi32, #tpu.memory_space<hbm>>
      tpu.wait_dma2 semaphore(%run_scoped3A : memref<!tpu.dma_semaphore, #tpu.memory_space<semaphore_mem>>) src(%dma_wait3A_124 : memref<16xi32, #tpu.memory_space<hbm>>) dst(%arg17 : memref<16xi32, #tpu.memory_space<vmem>>)
      tpu.yield
    }) : () -> ()
    %add3A_43 = arith.constant 200000 : i32
    %add3A_44 = arith.addi %mul3A_2, %add3A_43 : i32
    %sub3A = arith.constant 16 : i32
    %sub3A_45 = arith.subi %add3A_44, %sub3A : i32
    "tpu.region"() ({
      %run_scoped3A = tpu.sem_alloc : memref<!tpu.dma_semaphore, #tpu.memory_space<semaphore_mem>>
      %dma_start3A_122 = tpu.memref_slice %arg2[%sub3A_45] : memref<6400000xi32, #tpu.memory_space<hbm>> -> memref<16xi32, #tpu.memory_space<hbm>>
      %dma_start3A_123 = tpu.memref_slice %arg2[%sub3A_45] : memref<6400000xi32, #tpu.memory_space<hbm>> -> memref<16xi32, #tpu.memory_space<hbm>>
      tpu.enqueue_dma source(%dma_start3A_123 : memref<16xi32, #tpu.memory_space<hbm>>) target(%arg18 : memref<16xi32, #tpu.memory_space<vmem>>) target_semaphore(%run_scoped3A : memref<!tpu.dma_semaphore, #tpu.memory_space<semaphore_mem>>)
      %dma_wait3A = tpu.memref_slice %arg2[%sub3A_45] : memref<6400000xi32, #tpu.memory_space<hbm>> -> memref<16xi32, #tpu.memory_space<hbm>>
      %dma_wait3A_124 = tpu.memref_slice %arg2[%sub3A_45] : memref<6400000xi32, #tpu.memory_space<hbm>> -> memref<16xi32, #tpu.memory_space<hbm>>
      tpu.wait_dma2 semaphore(%run_scoped3A : memref<!tpu.dma_semaphore, #tpu.memory_space<semaphore_mem>>) src(%dma_wait3A_124 : memref<16xi32, #tpu.memory_space<hbm>>) dst(%arg18 : memref<16xi32, #tpu.memory_space<vmem>>)
      tpu.yield
    }) : () -> ()
    %get3A = arith.constant 0 : index
    %get3A_46 = tpu.vector_load %arg17[%get3A] {strides = array<i32>} : memref<16xi32, #tpu.memory_space<vmem>>, vector<16xi32>,
    %reduce_min3A = arith.constant true
    %reduce_min3A_47 = vector.broadcast %reduce_min3A : i1 to vector<16xi1>
    %reduce_min3A_48 = arith.constant -2147483648 : i32
    %reduce_min3A_49 = vector.broadcast %reduce_min3A_48 : i32 to vector<16xi32>
    %reduce_min3A_50 = arith.xori %get3A_46, %reduce_min3A_49 : vector<16xi32>
    %reduce_min3A_51 = tpu.scan <min>, %reduce_min3A_50 masked %reduce_min3A_47 : vector<16xi32>, vector<16xi1> -> vector<16xi32>
    %reduce_min3A_52 = arith.xori %reduce_min3A_51, %reduce_min3A_49 : vector<16xi32>
    %reduce_min3A_53 = vector.extract %reduce_min3A_52[15] : i32 from vector<16xi32>
    %get3A_54 = arith.constant 0 : index
    %get3A_55 = tpu.vector_load %arg18[%get3A_54] {strides = array<i32>} : memref<16xi32, #tpu.memory_space<vmem>>, vector<16xi32>,
    %reduce_max3A = arith.constant true
    %reduce_max3A_56 = vector.broadcast %reduce_max3A : i1 to vector<16xi1>
    %reduce_max3A_57 = arith.constant -2147483648 : i32
    %reduce_max3A_58 = vector.broadcast %reduce_max3A_57 : i32 to vector<16xi32>
    %reduce_max3A_59 = arith.xori %get3A_55, %reduce_max3A_58 : vector<16xi32>
    %reduce_max3A_60 = tpu.scan <max>, %reduce_max3A_59 masked %reduce_max3A_56 : vector<16xi32>, vector<16xi1> -> vector<16xi32>
    %reduce_max3A_61 = arith.xori %reduce_max3A_60, %reduce_max3A_58 : vector<16xi32>
    %reduce_max3A_62 = vector.extract %reduce_max3A_61[15] : i32 from vector<16xi32>
    %jit3A = arith.constant 256 : i32
    %div3A = arith.divsi %reduce_min3A_53, %jit3A : i32
    %sign3A = arith.constant 0 : i32
    %sign3A_63 = arith.cmpi sgt, %reduce_min3A_53, %sign3A : i32
    %sign3A_64 = arith.extui %sign3A_63 : i1 to i32
    %sign3A_65 = arith.constant 0 : i32
    %sign3A_66 = arith.cmpi slt, %reduce_min3A_53, %sign3A_65 : i32
    %sign3A_67 = arith.extui %sign3A_66 : i1 to i32
    %sign3A_68 = arith.subi %sign3A_64, %sign3A_67 : i32
    %sign3A_69 = arith.constant 0 : i32
    %sign3A_70 = arith.cmpi sgt, %jit3A, %sign3A_69 : i32
    %sign3A_71 = arith.extui %sign3A_70 : i1 to i32
    %sign3A_72 = arith.constant 0 : i32
    %sign3A_73 = arith.cmpi slt, %jit3A, %sign3A_72 : i32
    %sign3A_74 = arith.extui %sign3A_73 : i1 to i32
    %sign3A_75 = arith.subi %sign3A_71, %sign3A_74 : i32
    %ne3A = arith.cmpi ne, %sign3A_68, %sign3A_75 : i32
    %rem3A = arith.remsi %reduce_min3A_53, %jit3A : i32
    %ne3A_76 = arith.constant 0 : i32
    %ne3A_77 = arith.cmpi ne, %rem3A, %ne3A_76 : i32
    %and3A = arith.andi %ne3A, %ne3A_77 : i1
    %sub3A_78 = arith.constant 1 : i32
    %sub3A_79 = arith.subi %div3A, %sub3A_78 : i32
    %select_n3A = arith.select %and3A, %sub3A_79, %div3A : i32
    %mul3A_80 = arith.constant 256 : i32
    %mul3A_81 = arith.muli %select_n3A, %mul3A_80 : i32
    %sub3A_82 = arith.subi %reduce_max3A_62, %mul3A_81 : i32
    %jit3A_83 = arith.constant 256 : i32
    %div3A_84 = arith.divsi %sub3A_82, %jit3A_83 : i32
    %sign3A_85 = arith.constant 0 : i32
    %sign3A_86 = arith.cmpi sgt, %sub3A_82, %sign3A_85 : i32
    %sign3A_87 = arith.extui %sign3A_86 : i1 to i32
    %sign3A_88 = arith.constant 0 : i32
    %sign3A_89 = arith.cmpi slt, %sub3A_82, %sign3A_88 : i32
    %sign3A_90 = arith.extui %sign3A_89 : i1 to i32
    %sign3A_91 = arith.subi %sign3A_87, %sign3A_90 : i32
    %sign3A_92 = arith.constant 0 : i32
    %sign3A_93 = arith.cmpi sgt, %jit3A_83, %sign3A_92 : i32
    %sign3A_94 = arith.extui %sign3A_93 : i1 to i32
    %sign3A_95 = arith.constant 0 : i32
    %sign3A_96 = arith.cmpi slt, %jit3A_83, %sign3A_95 : i32
    %sign3A_97 = arith.extui %sign3A_96 : i1 to i32
    %sign3A_98 = arith.subi %sign3A_94, %sign3A_97 : i32
    %ne3A_99 = arith.cmpi ne, %sign3A_91, %sign3A_98 : i32
    %rem3A_100 = arith.remsi %sub3A_82, %jit3A_83 : i32
    %ne3A_101 = arith.constant 0 : i32
    %ne3A_102 = arith.cmpi ne, %rem3A_100, %ne3A_101 : i32
    %and3A_103 = arith.andi %ne3A_99, %ne3A_102 : i1
    %sub3A_104 = arith.constant 1 : i32
    %sub3A_105 = arith.subi %div3A_84, %sub3A_104 : i32
    %select_n3A_106 = arith.select %and3A_103, %sub3A_105, %div3A_84 : i32
    %add3A_107 = arith.constant 1 : i32
    %add3A_108 = arith.addi %select_n3A_106, %add3A_107 : i32
    %while3A = arith.constant 0 : i32
    %while3A_109 = arith.subi %add3A_108, %while3A : i32
    %while3A_110 = arith.addi %while3A, %while3A_109 : i32
    %while3A_111 = arith.constant 1 : i32
    %while3A_112 = arith.divsi %while3A_109, %while3A_111 : i32
    %while3A_113 = arith.muli %while3A_112, %while3A_111 : i32
    %while3A_114 = arith.addi %while3A, %while3A_113 : i32
    %while3A_115 = arith.constant 1 : i32
    scf.for %while3A_122 = %while3A to %while3A_114 step %while3A_115  : i32 {
      %mul3A_123 = arith.constant 256 : i32
      %mul3A_124 = arith.muli %while3A_122, %mul3A_123 : i32
      %add3A_125 = arith.addi %mul3A_81, %mul3A_124 : i32
      %add3A_126 = arith.constant 0 : i32
      %add3A_127 = arith.addi %add3A_125, %add3A_126 : i32
      %add3A_128 = vector.broadcast %add3A_127 : i32 to vector<16xi32>
      %add3A_129 = arith.addi %iota3A, %add3A_128 : vector<16xi32>
      %swap3A = arith.constant 0 : index
      %swap3A_130 = tpu.vector_load %arg16[%swap3A] {strides = array<i32>} : memref<256xi32, #tpu.memory_space<vmem>>, vector<16xi32>,
      tpu.vector_store %arg16[%swap3A], %add3A_129 {strides = array<i32>} : memref<256xi32, #tpu.memory_space<vmem>>, vector<16xi32>,
      %add3A_131 = arith.constant 16 : i32
      %add3A_132 = arith.addi %add3A_125, %add3A_131 : i32
      %add3A_133 = vector.broadcast %add3A_132 : i32 to vector<16xi32>
      %add3A_134 = arith.addi %iota3A, %add3A_133 : vector<16xi32>
      %swap3A_135 = arith.constant 16 : index
      %swap3A_136 = tpu.vector_load %arg16[%swap3A_135] {strides = array<i32>} : memref<256xi32, #tpu.memory_space<vmem>>, vector<16xi32>,
      tpu.vector_store %arg16[%swap3A_135], %add3A_134 {strides = array<i32>} : memref<256xi32, #tpu.memory_space<vmem>>, vector<16xi32>,
      %add3A_137 = arith.constant 32 : i32
      %add3A_138 = arith.addi %add3A_125, %add3A_137 : i32
      %add3A_139 = vector.broadcast %add3A_138 : i32 to vector<16xi32>
      %add3A_140 = arith.addi %iota3A, %add3A_139 : vector<16xi32>
      %swap3A_141 = arith.constant 32 : index
      %swap3A_142 = tpu.vector_load %arg16[%swap3A_141] {strides = array<i32>} : memref<256xi32, #tpu.memory_space<vmem>>, vector<16xi32>,
      tpu.vector_store %arg16[%swap3A_141], %add3A_140 {strides = array<i32>} : memref<256xi32, #tpu.memory_space<vmem>>, vector<16xi32>,
      %add3A_143 = arith.constant 48 : i32
      %add3A_144 = arith.addi %add3A_125, %add3A_143 : i32
      %add3A_145 = vector.broadcast %add3A_144 : i32 to vector<16xi32>
      %add3A_146 = arith.addi %iota3A, %add3A_145 : vector<16xi32>
      %swap3A_147 = arith.constant 48 : index
      %swap3A_148 = tpu.vector_load %arg16[%swap3A_147] {strides = array<i32>} : memref<256xi32, #tpu.memory_space<vmem>>, vector<16xi32>,
      tpu.vector_store %arg16[%swap3A_147], %add3A_146 {strides = array<i32>} : memref<256xi32, #tpu.memory_space<vmem>>, vector<16xi32>,
      %add3A_149 = arith.constant 64 : i32
      %add3A_150 = arith.addi %add3A_125, %add3A_149 : i32
      %add3A_151 = vector.broadcast %add3A_150 : i32 to vector<16xi32>
      %add3A_152 = arith.addi %iota3A, %add3A_151 : vector<16xi32>
      %swap3A_153 = arith.constant 64 : index
      %swap3A_154 = tpu.vector_load %arg16[%swap3A_153] {strides = array<i32>} : memref<256xi32, #tpu.memory_space<vmem>>, vector<16xi32>,
      tpu.vector_store %arg16[%swap3A_153], %add3A_152 {strides = array<i32>} : memref<256xi32, #tpu.memory_space<vmem>>, vector<16xi32>,
      %add3A_155 = arith.constant 80 : i32
      %add3A_156 = arith.addi %add3A_125, %add3A_155 : i32
      %add3A_157 = vector.broadcast %add3A_156 : i32 to vector<16xi32>
      %add3A_158 = arith.addi %iota3A, %add3A_157 : vector<16xi32>
      %swap3A_159 = arith.constant 80 : index
      %swap3A_160 = tpu.vector_load %arg16[%swap3A_159] {strides = array<i32>} : memref<256xi32, #tpu.memory_space<vmem>>, vector<16xi32>,
      tpu.vector_store %arg16[%swap3A_159], %add3A_158 {strides = array<i32>} : memref<256xi32, #tpu.memory_space<vmem>>, vector<16xi32>,
      %add3A_161 = arith.constant 96 : i32
      %add3A_162 = arith.addi %add3A_125, %add3A_161 : i32
      %add3A_163 = vector.broadcast %add3A_162 : i32 to vector<16xi32>
      %add3A_164 = arith.addi %iota3A, %add3A_163 : vector<16xi32>
      %swap3A_165 = arith.constant 96 : index
      %swap3A_166 = tpu.vector_load %arg16[%swap3A_165] {strides = array<i32>} : memref<256xi32, #tpu.memory_space<vmem>>, vector<16xi32>,
      tpu.vector_store %arg16[%swap3A_165], %add3A_164 {strides = array<i32>} : memref<256xi32, #tpu.memory_space<vmem>>, vector<16xi32>,
      %add3A_167 = arith.constant 112 : i32
      %add3A_168 = arith.addi %add3A_125, %add3A_167 : i32
      %add3A_169 = vector.broadcast %add3A_168 : i32 to vector<16xi32>
      %add3A_170 = arith.addi %iota3A, %add3A_169 : vector<16xi32>
      %swap3A_171 = arith.constant 112 : index
      %swap3A_172 = tpu.vector_load %arg16[%swap3A_171] {strides = array<i32>} : memref<256xi32, #tpu.memory_space<vmem>>, vector<16xi32>,
      tpu.vector_store %arg16[%swap3A_171], %add3A_170 {strides = array<i32>} : memref<256xi32, #tpu.memory_space<vmem>>, vector<16xi32>,
      %add3A_173 = arith.constant 128 : i32
      %add3A_174 = arith.addi %add3A_125, %add3A_173 : i32
      %add3A_175 = vector.broadcast %add3A_174 : i32 to vector<16xi32>
      %add3A_176 = arith.addi %iota3A, %add3A_175 : vector<16xi32>
      %swap3A_177 = arith.constant 128 : index
      %swap3A_178 = tpu.vector_load %arg16[%swap3A_177] {strides = array<i32>} : memref<256xi32, #tpu.memory_space<vmem>>, vector<16xi32>,
      tpu.vector_store %arg16[%swap3A_177], %add3A_176 {strides = array<i32>} : memref<256xi32, #tpu.memory_space<vmem>>, vector<16xi32>,
      %add3A_179 = arith.constant 144 : i32
      %add3A_180 = arith.addi %add3A_125, %add3A_179 : i32
      %add3A_181 = vector.broadcast %add3A_180 : i32 to vector<16xi32>
      %add3A_182 = arith.addi %iota3A, %add3A_181 : vector<16xi32>
      %swap3A_183 = arith.constant 144 : index
      %swap3A_184 = tpu.vector_load %arg16[%swap3A_183] {strides = array<i32>} : memref<256xi32, #tpu.memory_space<vmem>>, vector<16xi32>,
      tpu.vector_store %arg16[%swap3A_183], %add3A_182 {strides = array<i32>} : memref<256xi32, #tpu.memory_space<vmem>>, vector<16xi32>,
      %add3A_185 = arith.constant 160 : i32
      %add3A_186 = arith.addi %add3A_125, %add3A_185 : i32
      %add3A_187 = vector.broadcast %add3A_186 : i32 to vector<16xi32>
      %add3A_188 = arith.addi %iota3A, %add3A_187 : vector<16xi32>
      %swap3A_189 = arith.constant 160 : index
      %swap3A_190 = tpu.vector_load %arg16[%swap3A_189] {strides = array<i32>} : memref<256xi32, #tpu.memory_space<vmem>>, vector<16xi32>,
      tpu.vector_store %arg16[%swap3A_189], %add3A_188 {strides = array<i32>} : memref<256xi32, #tpu.memory_space<vmem>>, vector<16xi32>,
      %add3A_191 = arith.constant 176 : i32
      %add3A_192 = arith.addi %add3A_125, %add3A_191 : i32
      %add3A_193 = vector.broadcast %add3A_192 : i32 to vector<16xi32>
      %add3A_194 = arith.addi %iota3A, %add3A_193 : vector<16xi32>
      %swap3A_195 = arith.constant 176 : index
      %swap3A_196 = tpu.vector_load %arg16[%swap3A_195] {strides = array<i32>} : memref<256xi32, #tpu.memory_space<vmem>>, vector<16xi32>,
      tpu.vector_store %arg16[%swap3A_195], %add3A_194 {strides = array<i32>} : memref<256xi32, #tpu.memory_space<vmem>>, vector<16xi32>,
      %add3A_197 = arith.constant 192 : i32
      %add3A_198 = arith.addi %add3A_125, %add3A_197 : i32
      %add3A_199 = vector.broadcast %add3A_198 : i32 to vector<16xi32>
      %add3A_200 = arith.addi %iota3A, %add3A_199 : vector<16xi32>
      %swap3A_201 = arith.constant 192 : index
      %swap3A_202 = tpu.vector_load %arg16[%swap3A_201] {strides = array<i32>} : memref<256xi32, #tpu.memory_space<vmem>>, vector<16xi32>,
      tpu.vector_store %arg16[%swap3A_201], %add3A_200 {strides = array<i32>} : memref<256xi32, #tpu.memory_space<vmem>>, vector<16xi32>,
      %add3A_203 = arith.constant 208 : i32
      %add3A_204 = arith.addi %add3A_125, %add3A_203 : i32
      %add3A_205 = vector.broadcast %add3A_204 : i32 to vector<16xi32>
      %add3A_206 = arith.addi %iota3A, %add3A_205 : vector<16xi32>
      %swap3A_207 = arith.constant 208 : index
      %swap3A_208 = tpu.vector_load %arg16[%swap3A_207] {strides = array<i32>} : memref<256xi32, #tpu.memory_space<vmem>>, vector<16xi32>,
      tpu.vector_store %arg16[%swap3A_207], %add3A_206 {strides = array<i32>} : memref<256xi32, #tpu.memory_space<vmem>>, vector<16xi32>,
      %add3A_209 = arith.constant 224 : i32
      %add3A_210 = arith.addi %add3A_125, %add3A_209 : i32
      %add3A_211 = vector.broadcast %add3A_210 : i32 to vector<16xi32>
      %add3A_212 = arith.addi %iota3A, %add3A_211 : vector<16xi32>
      %swap3A_213 = arith.constant 224 : index
      %swap3A_214 = tpu.vector_load %arg16[%swap3A_213] {strides = array<i32>} : memref<256xi32, #tpu.memory_space<vmem>>, vector<16xi32>,
      tpu.vector_store %arg16[%swap3A_213], %add3A_212 {strides = array<i32>} : memref<256xi32, #tpu.memory_space<vmem>>, vector<16xi32>,
      %add3A_215 = arith.constant 240 : i32
      %add3A_216 = arith.addi %add3A_125, %add3A_215 : i32
      %add3A_217 = vector.broadcast %add3A_216 : i32 to vector<16xi32>
      %add3A_218 = arith.addi %iota3A, %add3A_217 : vector<16xi32>
      %swap3A_219 = arith.constant 240 : index
      %swap3A_220 = tpu.vector_load %arg16[%swap3A_219] {strides = array<i32>} : memref<256xi32, #tpu.memory_space<vmem>>, vector<16xi32>,
      tpu.vector_store %arg16[%swap3A_219], %add3A_218 {strides = array<i32>} : memref<256xi32, #tpu.memory_space<vmem>>, vector<16xi32>,
      "tpu.region"() ({
        %run_scoped3A = tpu.sem_alloc : memref<!tpu.dma_semaphore, #tpu.memory_space<semaphore_mem>>
        %dma_start3A_221 = tpu.memref_slice %arg15[%add3A_125] : memref<100352xf32, #tpu.memory_space<vmem>> -> memref<256xf32, #tpu.memory_space<vmem>>
        %dma_start3A_222 = arith.constant 0 : i32
        %dma_start3A_223 = tpu.memref_slice %arg19[%dma_start3A_222] : memref<100352xf32, #tpu.memory_space<vmem_shared>> -> memref<100352xf32, #tpu.memory_space<vmem_shared>>
        tpu.enqueue_indirect_dma source(%dma_start3A_221 : memref<256xf32, #tpu.memory_space<vmem>>) target(%dma_start3A_223 : memref<100352xf32, #tpu.memory_space<vmem_shared>>) offsets(%arg16 : memref<256xi32, #tpu.memory_space<vmem>>) semaphore(%run_scoped3A : memref<!tpu.dma_semaphore, #tpu.memory_space<semaphore_mem>>) {add = true}
        %dma_wait3A = tpu.memref_slice %arg15[%add3A_125] : memref<100352xf32, #tpu.memory_space<vmem>> -> memref<256xf32, #tpu.memory_space<vmem>>
        %dma_wait3A_224 = arith.constant 0 : i32
        %dma_wait3A_225 = tpu.memref_slice %arg19[%dma_wait3A_224] : memref<100352xf32, #tpu.memory_space<vmem_shared>> -> memref<100352xf32, #tpu.memory_space<vmem_shared>>
        tpu.wait_indirect_dma semaphore(%run_scoped3A : memref<!tpu.dma_semaphore, #tpu.memory_space<semaphore_mem>>) src(%dma_wait3A : memref<256xf32, #tpu.memory_space<vmem>>) dst(%dma_wait3A_225 : memref<100352xf32, #tpu.memory_space<vmem_shared>>)
        tpu.yield
      }) : () -> ()
    }
    %while3A_116 = arith.constant 1 : i32
    scf.for %while3A_122 = %while3A_114 to %while3A_110 step %while3A_116  : i32 {
      %mul3A_123 = arith.constant 256 : i32
      %mul3A_124 = arith.muli %while3A_122, %mul3A_123 : i32
      %add3A_125 = arith.addi %mul3A_81, %mul3A_124 : i32
      %add3A_126 = arith.constant 0 : i32
      %add3A_127 = arith.addi %add3A_125, %add3A_126 : i32
      %add3A_128 = vector.broadcast %add3A_127 : i32 to vector<16xi32>
      %add3A_129 = arith.addi %iota3A, %add3A_128 : vector<16xi32>
      %swap3A = arith.constant 0 : index
      %swap3A_130 = tpu.vector_load %arg16[%swap3A] {strides = array<i32>} : memref<256xi32, #tpu.memory_space<vmem>>, vector<16xi32>,
      tpu.vector_store %arg16[%swap3A], %add3A_129 {strides = array<i32>} : memref<256xi32, #tpu.memory_space<vmem>>, vector<16xi32>,
      %add3A_131 = arith.constant 16 : i32
      %add3A_132 = arith.addi %add3A_125, %add3A_131 : i32
      %add3A_133 = vector.broadcast %add3A_132 : i32 to vector<16xi32>
      %add3A_134 = arith.addi %iota3A, %add3A_133 : vector<16xi32>
      %swap3A_135 = arith.constant 16 : index
      %swap3A_136 = tpu.vector_load %arg16[%swap3A_135] {strides = array<i32>} : memref<256xi32, #tpu.memory_space<vmem>>, vector<16xi32>,
      tpu.vector_store %arg16[%swap3A_135], %add3A_134 {strides = array<i32>} : memref<256xi32, #tpu.memory_space<vmem>>, vector<16xi32>,
      %add3A_137 = arith.constant 32 : i32
      %add3A_138 = arith.addi %add3A_125, %add3A_137 : i32
      %add3A_139 = vector.broadcast %add3A_138 : i32 to vector<16xi32>
      %add3A_140 = arith.addi %iota3A, %add3A_139 : vector<16xi32>
      %swap3A_141 = arith.constant 32 : index
      %swap3A_142 = tpu.vector_load %arg16[%swap3A_141] {strides = array<i32>} : memref<256xi32, #tpu.memory_space<vmem>>, vector<16xi32>,
      tpu.vector_store %arg16[%swap3A_141], %add3A_140 {strides = array<i32>} : memref<256xi32, #tpu.memory_space<vmem>>, vector<16xi32>,
      %add3A_143 = arith.constant 48 : i32
      %add3A_144 = arith.addi %add3A_125, %add3A_143 : i32
      %add3A_145 = vector.broadcast %add3A_144 : i32 to vector<16xi32>
      %add3A_146 = arith.addi %iota3A, %add3A_145 : vector<16xi32>
      %swap3A_147 = arith.constant 48 : index
      %swap3A_148 = tpu.vector_load %arg16[%swap3A_147] {strides = array<i32>} : memref<256xi32, #tpu.memory_space<vmem>>, vector<16xi32>,
      tpu.vector_store %arg16[%swap3A_147], %add3A_146 {strides = array<i32>} : memref<256xi32, #tpu.memory_space<vmem>>, vector<16xi32>,
      %add3A_149 = arith.constant 64 : i32
      %add3A_150 = arith.addi %add3A_125, %add3A_149 : i32
      %add3A_151 = vector.broadcast %add3A_150 : i32 to vector<16xi32>
      %add3A_152 = arith.addi %iota3A, %add3A_151 : vector<16xi32>
      %swap3A_153 = arith.constant 64 : index
      %swap3A_154 = tpu.vector_load %arg16[%swap3A_153] {strides = array<i32>} : memref<256xi32, #tpu.memory_space<vmem>>, vector<16xi32>,
      tpu.vector_store %arg16[%swap3A_153], %add3A_152 {strides = array<i32>} : memref<256xi32, #tpu.memory_space<vmem>>, vector<16xi32>,
      %add3A_155 = arith.constant 80 : i32
      %add3A_156 = arith.addi %add3A_125, %add3A_155 : i32
      %add3A_157 = vector.broadcast %add3A_156 : i32 to vector<16xi32>
      %add3A_158 = arith.addi %iota3A, %add3A_157 : vector<16xi32>
      %swap3A_159 = arith.constant 80 : index
      %swap3A_160 = tpu.vector_load %arg16[%swap3A_159] {strides = array<i32>} : memref<256xi32, #tpu.memory_space<vmem>>, vector<16xi32>,
      tpu.vector_store %arg16[%swap3A_159], %add3A_158 {strides = array<i32>} : memref<256xi32, #tpu.memory_space<vmem>>, vector<16xi32>,
      %add3A_161 = arith.constant 96 : i32
      %add3A_162 = arith.addi %add3A_125, %add3A_161 : i32
      %add3A_163 = vector.broadcast %add3A_162 : i32 to vector<16xi32>
      %add3A_164 = arith.addi %iota3A, %add3A_163 : vector<16xi32>
      %swap3A_165 = arith.constant 96 : index
      %swap3A_166 = tpu.vector_load %arg16[%swap3A_165] {strides = array<i32>} : memref<256xi32, #tpu.memory_space<vmem>>, vector<16xi32>,
      tpu.vector_store %arg16[%swap3A_165], %add3A_164 {strides = array<i32>} : memref<256xi32, #tpu.memory_space<vmem>>, vector<16xi32>,
      %add3A_167 = arith.constant 112 : i32
      %add3A_168 = arith.addi %add3A_125, %add3A_167 : i32
      %add3A_169 = vector.broadcast %add3A_168 : i32 to vector<16xi32>
      %add3A_170 = arith.addi %iota3A, %add3A_169 : vector<16xi32>
      %swap3A_171 = arith.constant 112 : index
      %swap3A_172 = tpu.vector_load %arg16[%swap3A_171] {strides = array<i32>} : memref<256xi32, #tpu.memory_space<vmem>>, vector<16xi32>,
      tpu.vector_store %arg16[%swap3A_171], %add3A_170 {strides = array<i32>} : memref<256xi32, #tpu.memory_space<vmem>>, vector<16xi32>,
      %add3A_173 = arith.constant 128 : i32
      %add3A_174 = arith.addi %add3A_125, %add3A_173 : i32
      %add3A_175 = vector.broadcast %add3A_174 : i32 to vector<16xi32>
      %add3A_176 = arith.addi %iota3A, %add3A_175 : vector<16xi32>
      %swap3A_177 = arith.constant 128 : index
      %swap3A_178 = tpu.vector_load %arg16[%swap3A_177] {strides = array<i32>} : memref<256xi32, #tpu.memory_space<vmem>>, vector<16xi32>,
      tpu.vector_store %arg16[%swap3A_177], %add3A_176 {strides = array<i32>} : memref<256xi32, #tpu.memory_space<vmem>>, vector<16xi32>,
      %add3A_179 = arith.constant 144 : i32
      %add3A_180 = arith.addi %add3A_125, %add3A_179 : i32
      %add3A_181 = vector.broadcast %add3A_180 : i32 to vector<16xi32>
      %add3A_182 = arith.addi %iota3A, %add3A_181 : vector<16xi32>
      %swap3A_183 = arith.constant 144 : index
      %swap3A_184 = tpu.vector_load %arg16[%swap3A_183] {strides = array<i32>} : memref<256xi32, #tpu.memory_space<vmem>>, vector<16xi32>,
      tpu.vector_store %arg16[%swap3A_183], %add3A_182 {strides = array<i32>} : memref<256xi32, #tpu.memory_space<vmem>>, vector<16xi32>,
      %add3A_185 = arith.constant 160 : i32
      %add3A_186 = arith.addi %add3A_125, %add3A_185 : i32
      %add3A_187 = vector.broadcast %add3A_186 : i32 to vector<16xi32>
      %add3A_188 = arith.addi %iota3A, %add3A_187 : vector<16xi32>
      %swap3A_189 = arith.constant 160 : index
      %swap3A_190 = tpu.vector_load %arg16[%swap3A_189] {strides = array<i32>} : memref<256xi32, #tpu.memory_space<vmem>>, vector<16xi32>,
      tpu.vector_store %arg16[%swap3A_189], %add3A_188 {strides = array<i32>} : memref<256xi32, #tpu.memory_space<vmem>>, vector<16xi32>,
      %add3A_191 = arith.constant 176 : i32
      %add3A_192 = arith.addi %add3A_125, %add3A_191 : i32
      %add3A_193 = vector.broadcast %add3A_192 : i32 to vector<16xi32>
      %add3A_194 = arith.addi %iota3A, %add3A_193 : vector<16xi32>
      %swap3A_195 = arith.constant 176 : index
      %swap3A_196 = tpu.vector_load %arg16[%swap3A_195] {strides = array<i32>} : memref<256xi32, #tpu.memory_space<vmem>>, vector<16xi32>,
      tpu.vector_store %arg16[%swap3A_195], %add3A_194 {strides = array<i32>} : memref<256xi32, #tpu.memory_space<vmem>>, vector<16xi32>,
      %add3A_197 = arith.constant 192 : i32
      %add3A_198 = arith.addi %add3A_125, %add3A_197 : i32
      %add3A_199 = vector.broadcast %add3A_198 : i32 to vector<16xi32>
      %add3A_200 = arith.addi %iota3A, %add3A_199 : vector<16xi32>
      %swap3A_201 = arith.constant 192 : index
      %swap3A_202 = tpu.vector_load %arg16[%swap3A_201] {strides = array<i32>} : memref<256xi32, #tpu.memory_space<vmem>>, vector<16xi32>,
      tpu.vector_store %arg16[%swap3A_201], %add3A_200 {strides = array<i32>} : memref<256xi32, #tpu.memory_space<vmem>>, vector<16xi32>,
      %add3A_203 = arith.constant 208 : i32
      %add3A_204 = arith.addi %add3A_125, %add3A_203 : i32
      %add3A_205 = vector.broadcast %add3A_204 : i32 to vector<16xi32>
      %add3A_206 = arith.addi %iota3A, %add3A_205 : vector<16xi32>
      %swap3A_207 = arith.constant 208 : index
      %swap3A_208 = tpu.vector_load %arg16[%swap3A_207] {strides = array<i32>} : memref<256xi32, #tpu.memory_space<vmem>>, vector<16xi32>,
      tpu.vector_store %arg16[%swap3A_207], %add3A_206 {strides = array<i32>} : memref<256xi32, #tpu.memory_space<vmem>>, vector<16xi32>,
      %add3A_209 = arith.constant 224 : i32
      %add3A_210 = arith.addi %add3A_125, %add3A_209 : i32
      %add3A_211 = vector.broadcast %add3A_210 : i32 to vector<16xi32>
      %add3A_212 = arith.addi %iota3A, %add3A_211 : vector<16xi32>
      %swap3A_213 = arith.constant 224 : index
      %swap3A_214 = tpu.vector_load %arg16[%swap3A_213] {strides = array<i32>} : memref<256xi32, #tpu.memory_space<vmem>>, vector<16xi32>,
      tpu.vector_store %arg16[%swap3A_213], %add3A_212 {strides = array<i32>} : memref<256xi32, #tpu.memory_space<vmem>>, vector<16xi32>,
      %add3A_215 = arith.constant 240 : i32
      %add3A_216 = arith.addi %add3A_125, %add3A_215 : i32
      %add3A_217 = vector.broadcast %add3A_216 : i32 to vector<16xi32>
      %add3A_218 = arith.addi %iota3A, %add3A_217 : vector<16xi32>
      %swap3A_219 = arith.constant 240 : index
      %swap3A_220 = tpu.vector_load %arg16[%swap3A_219] {strides = array<i32>} : memref<256xi32, #tpu.memory_space<vmem>>, vector<16xi32>,
      tpu.vector_store %arg16[%swap3A_219], %add3A_218 {strides = array<i32>} : memref<256xi32, #tpu.memory_space<vmem>>, vector<16xi32>,
      "tpu.region"() ({
        %run_scoped3A = tpu.sem_alloc : memref<!tpu.dma_semaphore, #tpu.memory_space<semaphore_mem>>
        %dma_start3A_221 = tpu.memref_slice %arg15[%add3A_125] : memref<100352xf32, #tpu.memory_space<vmem>> -> memref<256xf32, #tpu.memory_space<vmem>>
        %dma_start3A_222 = arith.constant 0 : i32
        %dma_start3A_223 = tpu.memref_slice %arg19[%dma_start3A_222] : memref<100352xf32, #tpu.memory_space<vmem_shared>> -> memref<100352xf32, #tpu.memory_space<vmem_shared>>
        tpu.enqueue_indirect_dma source(%dma_start3A_221 : memref<256xf32, #tpu.memory_space<vmem>>) target(%dma_start3A_223 : memref<100352xf32, #tpu.memory_space<vmem_shared>>) offsets(%arg16 : memref<256xi32, #tpu.memory_space<vmem>>) semaphore(%run_scoped3A : memref<!tpu.dma_semaphore, #tpu.memory_space<semaphore_mem>>) {add = true}
        %dma_wait3A = tpu.memref_slice %arg15[%add3A_125] : memref<100352xf32, #tpu.memory_space<vmem>> -> memref<256xf32, #tpu.memory_space<vmem>>
        %dma_wait3A_224 = arith.constant 0 : i32
        %dma_wait3A_225 = tpu.memref_slice %arg19[%dma_wait3A_224] : memref<100352xf32, #tpu.memory_space<vmem_shared>> -> memref<100352xf32, #tpu.memory_space<vmem_shared>>
        tpu.wait_indirect_dma semaphore(%run_scoped3A : memref<!tpu.dma_semaphore, #tpu.memory_space<semaphore_mem>>) src(%dma_wait3A : memref<256xf32, #tpu.memory_space<vmem>>) dst(%dma_wait3A_225 : memref<100352xf32, #tpu.memory_space<vmem_shared>>)
        tpu.yield
      }) : () -> ()
    }
    %barrier3A_117 = arith.constant 0 : index
    tpu.barrier barrier_id(%barrier3A_117)
    %mul3A_118 = arith.constant 6272 : i32
    %mul3A_119 = arith.muli %arg1, %mul3A_118 : i32
    %mul3A_120 = arith.constant 6272 : i32
    %mul3A_121 = arith.muli %arg1, %mul3A_120 : i32
    "tpu.region"() ({
      %run_scoped3A = tpu.sem_alloc : memref<!tpu.dma_semaphore, #tpu.memory_space<semaphore_mem>>
      %dma_start3A_122 = tpu.memref_slice %arg4[%arg0, %mul3A_121] : memref<2x100352xf32, #tpu.memory_space<hbm>> -> memref<1x6272xf32, #tpu.memory_space<hbm>>
      %dma_start3A_123 = tpu.memref_squeeze %dma_start3A_122 : memref<1x6272xf32, #tpu.memory_space<hbm>> -> memref<6272xf32, #tpu.memory_space<hbm>>
      %dma_start3A_124 = tpu.memref_slice %arg19[%mul3A_119] : memref<100352xf32, #tpu.memory_space<vmem_shared>> -> memref<6272xf32, #tpu.memory_space<vmem_shared>>
      tpu.enqueue_dma source(%dma_start3A_124 : memref<6272xf32, #tpu.memory_space<vmem_shared>>) target(%dma_start3A_123 : memref<6272xf32, #tpu.memory_space<hbm>>) target_semaphore(%run_scoped3A : memref<!tpu.dma_semaphore, #tpu.memory_space<semaphore_mem>>)
      %dma_wait3A = tpu.memref_slice %arg4[%arg0, %mul3A_121] : memref<2x100352xf32, #tpu.memory_space<hbm>> -> memref<1x6272xf32, #tpu.memory_space<hbm>>
      %dma_wait3A_125 = tpu.memref_squeeze %dma_wait3A : memref<1x6272xf32, #tpu.memory_space<hbm>> -> memref<6272xf32, #tpu.memory_space<hbm>>
      %dma_wait3A_126 = tpu.memref_slice %arg19[%mul3A_119] : memref<100352xf32, #tpu.memory_space<vmem_shared>> -> memref<6272xf32, #tpu.memory_space<vmem_shared>>
      tpu.wait_dma2 semaphore(%run_scoped3A : memref<!tpu.dma_semaphore, #tpu.memory_space<semaphore_mem>>) src(%dma_wait3A_126 : memref<6272xf32, #tpu.memory_space<vmem_shared>>) dst(%dma_wait3A_125 : memref<6272xf32, #tpu.memory_space<hbm>>)
      tpu.yield
    }) : () -> ()
    return
  }
}

module attributes {stable_mosaic.version = 14 : i64} {
  func.func @body(%arg0: memref<2x100352xf32, #tpu.memory_space<vmem>>, %arg1: memref<100352xf32, #tpu.memory_space<vmem>>) attributes {dimension_semantics = [], scalar_prefetch = 0 : i64, scratch_operands = 0 : i64, tpu.core_type = #tpu.core_type<tc>} {
    %get3A = arith.constant 0 : index
    %get3A_0 = arith.constant 0 : index
    %get3A_1 = vector.load %arg0[%get3A, %get3A_0] : memref<2x100352xf32, #tpu.memory_space<vmem>>, vector<1x100352xf32>
    %get3A_2 = vector.shape_cast %get3A_1 : vector<1x100352xf32> to vector<100352xf32>
    %get3A_3 = arith.constant 1 : index
    %get3A_4 = arith.constant 0 : index
    %get3A_5 = vector.load %arg0[%get3A_3, %get3A_4] : memref<2x100352xf32, #tpu.memory_space<vmem>>, vector<1x100352xf32>
    %get3A_6 = vector.shape_cast %get3A_5 : vector<1x100352xf32> to vector<100352xf32>
    %add3A = arith.addf %get3A_2, %get3A_6 : vector<100352xf32>
    %swap3A = arith.constant 0 : index
    %swap3A_7 = vector.load %arg1[%swap3A] : memref<100352xf32, #tpu.memory_space<vmem>>, vector<100352xf32>
    tpu.vector_store %arg1[%swap3A], %add3A {strides = array<i32>} : memref<100352xf32, #tpu.memory_space<vmem>>, vector<100352xf32>,
    return
  }
}

</mosaic_0001>

<sc_bundles>
// kernel: kernel.4.cloned.1.call-start
scs
__scs_entry_jumppad:
0x0: {  	(pc) =	sbr.rel $0x88, $3  }
0x1: {  	(tag) =	ssettag $0x0;
	lr =	simm.s32 $0x1  }
0x2: {  	[smem:$0x3F9F] =	sst lr;
	_ =	strace $0xD0000000  }
0x3: {  	_ = 	snop  }
0x4: {  	_ = 	snop  }
0x5: {  	_ = 	snop  }
0x6: {  	_ = 	snop  }
0x7: {  	_ = 	snop  }
__scs_overlays_trampoline_lowered:
0x8: {  	[smem:$0x3FAE] =	sst s0  }
0x9: {  	[smem:$0x3FAF] =	sst s1  }
0xa: {  	[smem:$0x3FB0] =	sst s2  }
0xb: {  	[smem:$0x3FB1] =	sst s3  }
0xc: {  	[smem:$0x3FB2] =	sst s4  }
0xd: {  	[smem:$0x3FB3] =	sst s5  }
0xe: {  	[smem:$0x3FB4] =	sst s6  }
0xf: {  	[smem:$0x3FB5] =	sst s7  }
0x10: {  	[smem:$0x3FB6] =	sst s8  }
0x11: {  	[smem:$0x3FB7] =	sst s9;
	s0 =	simm.s32 @!p0 $0x0  }
0x12: {  	s1 =	sld [smem:$0x3F9D];
	s0 =	simm.s32 @p0 $0x1  }
0x13: {  	[smem:$0x3FB8] =	sst s0;
	s0 =	simm.s32 @!p1 $0x0  }
0x14: {  	s2 =	sld [smem:$0x3F9C];
	s0 =	simm.s32 @p1 $0x1  }
0x15: {  	[smem:$0x3FB9] =	sst s0;
	s0 =	simm.s32 @!p2 $0x0  }
0x16: {  	s3 =	sld [smem:$0x3FDB];
	s0 =	simm.s32 @p2 $0x1  }
0x17: {  	s4 =	simm.s32 $0x1BF5;
	[smem:$0x3FBB] =	sst s0  }
0x18: {  	s0 =	sld [smem:$0x3F9E];
	_ =	swait.ge [sflag:s4], $0x0  }
0x19: {  	s7 =	sld [smem:$0x3F9F]  }
0x1a: {  	s8 =	sadd.s32 $0xFFFFE003, lr  }
0x1b: {  	s9 =	sadd.s32 $0xFFFFFEF7, lr;
	s5 =	simm.s32 $0xFFFFFFFF;
	p2 =	slt.u32 s8, $0xFFFFF086  }
0x1c: {  	p1 =	slt.u32 s9, $0xF7A;
	s5 =	simm.s32 @!p2 $0x0  }
0x1d: {  	s5 =	simm.s32 @p1 $0x1;
	p0 =	seq.s32 s7, s2  }
0x1e: {  	s7 =	smul.u32 @!p0 $0xF7A, s2;
	p2 =	seq.s32 @!p0 s5, $0x0  }
0x1f: {  	s9 =	smul.u32 $0xF7A, s1;
	s8 =	simm.s32 @!p0 $0x1BF5;
	p2 =	por !p2, p0  }
0x20: {  	[sflag:s8] =	ssyncset.s32 @!p0 $0xFFFFF086;
	s6 =	sadd.s32 @!p0 s3, s7;
	s7 =	simm.s32 @!p0 $0x108  }
0x21: {  	s3 =	sadd.s32 s3, s9;
	s6 =	sadd.s32 @!p0 $0x88, s6;
	s7 =	simm.s32 @p2 $0x1082  }
0x22: {  	[simem:s7], [sflag:s8] =	dma.local @!p0 [hbm:s6], $0xF7A  }
0x23: {  	s9 =	sor.u32 $0xD0000000, s2;
	s6 =	simm.s32 $0x108;
	_ =	swait.ge @!p0 [sflag:s8], $0x0  }
0x24: {  	s3 =	sadd.s32 $0x88, s3;
	s6 =	simm.s32 @!p1 $0x1082;
	[sflag:s4] =	ssyncset.s32 $0xFFFFF086  }
0x25: {  	[simem:s6], [sflag:s4] =	dma.local [hbm:s3], $0xF7A  }
0x26: {  	[smem:$0x3F9F] =	sst s1;
	(tag) =	ssettag s2;
	_ =	strace s9  }
0x27: {  	s1 =	sld [smem:$0x3FAF]  }
0x28: {  	s2 =	sld [smem:$0x3FB0]  }
0x29: {  	s4 =	sld [smem:$0x3FB2]  }
0x2a: {  	p0 =	seq.s32 s5, $0x0;
	s5 =	sld [smem:$0x3FB3]  }
0x2b: {  	s6 =	sld [smem:$0x3FB4]  }
0x2c: {  	s7 =	sld [smem:$0x3FB5]  }
0x2d: {  	s3 =	simm.s32 $0x108;
	s8 =	sld [smem:$0x3FB6]  }
0x2e: {  	s3 =	simm.s32 @!p0 $0x1082;
	s9 =	sld [smem:$0x3FB7]  }
0x2f: {  	lr =	sadd.s32 s0, s3;
	s0 =	sld [smem:$0x3FAE]  }
0x30: {  	s3 =	sld [smem:$0x3FB1]  }
0x31: {  	[smem:$0x3FBA] =	sst s10  }
0x32: {  	s10 =	sld [smem:$0x3FB8];
	_ =	sdelay $0x3  }
0x33: {  	p0 =	seq.s32 s10, $0x1;
	s10 =	sld [smem:$0x3FBA];
	_ =	sdelay $0x3  }
0x34: {  	[smem:$0x3FBA] =	sst s10  }
0x35: {  	s10 =	sld [smem:$0x3FB9];
	_ =	sdelay $0x3  }
0x36: {  	p1 =	seq.s32 s10, $0x1;
	s10 =	sld [smem:$0x3FBA];
	_ =	sdelay $0x3  }
0x37: {  	[smem:$0x3FBA] =	sst s10  }
0x38: {  	s10 =	sld [smem:$0x3FBB]  }
0x39: {  	_ = 	snop;
	(pc) =	sbr.ind lr, $3  }
0x3a: {  	_ = 	snop  }
0x3b: {  	_ = 	snop  }
0x3c: {  	p2 =	seq.s32 s10, $0x1;
	s10 =	sld [smem:$0x3FBA]  }
0x3d: {  	_ =	shalt  }
0x3e: {  	_ =	shalt  }
0x3f: {  	_ =	shalt  }
0x40: {  	_ =	shalt  }
0x41: {  	_ =	shalt  }
0x42: {  	_ =	shalt  }
0x43: {  	_ =	shalt  }
0x44: {  	_ =	shalt  }
0x45: {  	_ =	shalt  }
0x46: {  	_ =	shalt  }
0x47: {  	_ =	shalt  }
0x48: {  	_ =	shalt  }
0x49: {  	_ =	shalt  }
0x4a: {  	_ =	shalt  }
0x4b: {  	_ =	shalt  }
0x4c: {  	_ =	shalt  }
0x4d: {  	_ =	shalt  }
0x4e: {  	_ =	shalt  }
0x4f: {  	_ =	shalt  }
0x50: {  	_ =	shalt  }
0x51: {  	_ =	shalt  }
0x52: {  	_ =	shalt  }
0x53: {  	_ =	shalt  }
0x54: {  	_ =	shalt  }
0x55: {  	_ =	shalt  }
0x56: {  	_ =	shalt  }
0x57: {  	_ =	shalt  }
0x58: {  	_ =	shalt  }
0x59: {  	_ =	shalt  }
0x5a: {  	_ =	shalt  }
0x5b: {  	_ =	shalt  }
0x5c: {  	_ =	shalt  }
0x5d: {  	_ =	shalt  }
0x5e: {  	_ =	shalt  }
0x5f: {  	_ =	shalt  }
0x60: {  	_ =	shalt  }
0x61: {  	_ =	shalt  }
0x62: {  	_ =	shalt  }
0x63: {  	_ =	shalt  }
0x64: {  	_ =	shalt  }
0x65: {  	_ =	shalt  }
0x66: {  	_ =	shalt  }
0x67: {  	_ =	shalt  }
0x68: {  	_ =	shalt  }
0x69: {  	_ =	shalt  }
0x6a: {  	_ =	shalt  }
0x6b: {  	_ =	shalt  }
0x6c: {  	_ =	shalt  }
0x6d: {  	_ =	shalt  }
0x6e: {  	_ =	shalt  }
0x6f: {  	_ =	shalt  }
0x70: {  	_ =	shalt  }
0x71: {  	_ =	shalt  }
0x72: {  	_ =	shalt  }
0x73: {  	_ =	shalt  }
0x74: {  	_ =	shalt  }
0x75: {  	_ =	shalt  }
0x76: {  	_ =	shalt  }
0x77: {  	_ =	shalt  }
0x78: {  	_ =	shalt  }
0x79: {  	_ =	shalt  }
0x7a: {  	_ =	shalt  }
0x7b: {  	_ =	shalt  }
0x7c: {  	_ =	shalt  }
0x7d: {  	_ =	shalt  }
0x7e: {  	_ =	shalt  }
0x7f: {  	_ =	shalt  }
0x80: {  	_ =	shalt  }
0x81: {  	_ =	shalt  }
0x82: {  	_ =	shalt  }
0x83: {  	_ =	shalt  }
0x84: {  	_ =	shalt  }
0x85: {  	_ =	shalt  }
0x86: {  	_ =	shalt  }
0x87: {  	_ =	shalt  }
.Lfunc_end0:
.L_simem_size_0:
called_computation_lowered:
.L_overlay_start_0:
0x88: {  	s2 =	sld [smem:$0x3FD9]  }
0x89: {  	s3 =	sld [smem:$0x3FFE];
	_ =	sdelay $0x1  }
0x8a: {  	s1 =	srdreg.scid  }
0x8b: {  	s0 =	sand.u32 $0x1, s1  }
0x8c: {  	s17 =	sshll.u32 s0, $0xA;
	s2 =	sadd.s32 s3, s2  }
0x8d: {  	s2 =	sadd.s32 s2, s17  }
0x8e: {  	[smem:$0x3FC6] =	sst s2  }
0x8f: {  	_ = 	snop  }
0x90: {  	s2 =	sld [smem:$0x3FC9]  }
0x91: {  	s18 =	sld [smem:$0x3FC8];
	(tm) =	ssettm $0x1  }
0x92: {  	s4 =	sld [smem:$0x3FFB];
	_ =	sdelay $0x3  }
0x93: {  	_ =	strace s4  }
0x94: {  	s4 =	sld [smem:$0x3FFC];
	_ =	sdelay $0x3  }
0x95: {  	_ =	strace s4  }
0x96: {  	s4 =	sld [smem:$0x3FFD];
	_ =	sdelay $0x3  }
0x97: {  	_ =	strace s4  }
0x98: {  	_ =	strace $0x8FFFFFFF  }
0x99: {  	s19 =	sld [smem:$0x3FDB];
	_ =	sdelay $0x1  }
0x9a: {  	s5 =	simm.s32 $_scs_section_size  }
0x9b: {  	s6 =	simm.s32 $_size__tile_overlayer_lowered;
	s7 =	simm.s32 $_tile_overlayer_lowered  }
0x9c: {  	s22 =	simm.s32 $0x1BFF;
	s21 =	sshll.u32 s7, $0x1;
	s4 =	sadd.s32 s5, s19  }
0x9d: {  	s8 =	simm.s32 $0x0;
	s20 =	sshll.u32 s6, $0x1;
	s6 =	sadd.s32 s21, s4  }
0x9e: {  	[timem:s8], [sflag:s22] =	dma.local [hbm:s6], s20  }
0x9f: {  	_ =	swait.ge [sflag:s22], s20  }
0xa0: {  	s5 =	ssub.s32 $0x0, s20;
	[sflag:s22] =	ssyncset.done $0x0  }
0xa1: {  	[sflag:s22] =	ssyncadd.s32 s5;
	_ =	sdelay $0x1  }
0xa2: {  	s23 =	simm.s32 $0x1B8B  }
0xa3: {  	_ =	swait.ge [sflag:s23], $0x1  }
0xa4: {  	[sflag:s23] =	ssyncset.done $0x0  }
0xa5: {  	s25 =	simm.s32 $0x1B8E;
	s24 =	sld [smem:$0x3FFE];
	[sflag:s23] =	ssyncadd.s32 $0xFFFFFFFF  }
0xa6: {  	s26 =	simm.s32 $execute0_lowered;
	[smem:$0x3FD2] =	sst s25  }
0xa7: {  	s6 =	sshll.u32 s26, $0x1;
	_ =	strace $0x80000046;
	[dreg:$0x1] =	wrdreg $0xFFFFFFFF  }
0xa8: {  	s28 =	simm.s32 $_size_execute0_lowered;
	s4 =	sadd.s32 s4, s6;
	[dreg:$0x0] =	wrdreg $0x0  }
0xa9: {  	s6 =	sshll.u32 s28, $0x1;
	[dreg:$0x2] =	wrdreg s4  }
0xaa: {  	[dreg:$0x3] =	wrdreg s6  }
0xab: {  	[dreg:$0x4] =	wrdreg $0xC0  }
0xac: {  	_ =	task [dreg:s8], $0x5FFFF  }
0xad: {  	[dreg:$0x1] =	wrdreg $0xFFFFFFFF  }
0xae: {  	[dreg:$0x0] =	wrdreg $0x60  }
0xaf: {  	[dreg:$0x2] =	wrdreg s2  }
0xb0: {  	[dreg:$0x3] =	wrdreg s18  }
0xb1: {  	[dreg:$0x4] =	wrdreg s24  }
0xb2: {  	[dreg:$0x5] =	wrdreg $0x1DA000  }
0xb3: {  	[dreg:$0x6] =	wrdreg $0x9  }
0xb4: {  	_ =	task.clear_ibuf [dreg:s8], $0x7FFFF;
	_ =	strace $0x90000046  }
0xb5: {  	s29 =	simm.s32 $0x9;
	_ =	strace $0x80000048  }
0xb6: {  	_ =	swait.ge [sflag:s29], $0x1  }
0xb7: {  	[sflag:s29] =	ssyncadd.s32 $0xFFFFFFFF  }
0xb8: {  	_ =	strace $0x90000048  }
0xb9: {  	_ =	sfence  }
0xba: {  	s30 =	sld [smem:$0x0];
	_ =	sdelay $0x2  }
0xbb: {  	s31 =	sshll.u32 s1, $0xD;
	s1 =	sshrl.u32 s1, $0x2  }
0xbc: {  	s3 =	sand.u32 $0x4000, s31;
	s1 =	sadd.s32 s1, s30  }
0xbd: {  	s0 =	sor.u32 s3, s0;
	s1 =	sshll.u32 s1, $0x11  }
0xbe: {  	s0 =	sor.u32 s1, s0  }
0xbf: {  	s0 =	sadd.s32 $0x8F2B, s0  }
0xc0: {  	[sflag:s0] =	ssyncadd.remote.s32 $0x1  }
0xc1: {  	_ =	sfence.sel $0xFFFF  }
0xc2: {  	[dreg:$0x0] =	wrdreg $0xFFFFFFFF;
	(pc) =	sbr.abs _section_cstart, $3  }
0xc3: {  	[dreg:$0x1] =	wrdreg $0xFFFFFFFF  }
0xc4: {  	_ =	task.clear_ibuf [dreg:s8], $0x2FFFF;
	_ =	strace $0x9FFFFFFF  }
0xc5: {  	(tm) =	ssettm $0x7FFFFFFF  }
tec
execute0_lowered:
.L_overlay_start_1:
0x0: {  	(tag) =	ssettag $0x1  }
0x1: {  	s16 =	rddreg [dreg:$0x0]  }
0x2: {  	s2 =	rddreg [dreg:$0x1]  }
0x3: {  	s0 =	rddreg [dreg:$0x2]  }
0x4: {  	s4 =	rddreg [dreg:$0x3]  }
0x5: {  	s3 =	srdreg.scid;
	s1 =	stileid.u32  }
0x6: {  	s5 =	simm.s32 $0x0;
	s28 =	simm.s32 $0x3800;
	s29 =	simm.s32 $0x1800  }
0x7: {  	s30 =	simm.s32 $0x4000;
	s31 =	simm.s32 $0x5000;
	s6 =	smul.u32 $0x3100, s1  }
0x8: {  	s3 =	sand.u32 $0x1, s3;
	[smem:$0x7FF] =	sst s5;
	s10 =	smul.u32 $0x6200, s1  }
0x9: {  	s7 =	sshll.u32 s3, $0x4;
	s8 =	sshll.u32 s3, $0x7;
	s3 =	ssub.s32 $0x2, s3  }
0xa: {  	_ =	strace $0x80000047;
	s7 =	sor.u32 s1, s7;
	s6 =	sor.u32 s8, s6  }
0xb: {  	s23 =	sshrl.u32 s3, $0x1;
	s18 =	sshrl.u32 s10, $0x2;
	s7 =	smul.u32 $0x30D40, s7  }
0xc: {  	s8 =	simm.s32 $0x4800;
	s6 =	sshrl.u32 s6, $0x3;
	s18 =	sadd.s32 s18, s4  }
0xd: {  	s3 =	ssub.s32 s3, s23;
	[dreg:$0xd] =	wrdreg s18;
	s20 =	sadd.s32 $0x1F40, s7  }
0xe: {  	s0 =	sadd.s32 s6, s0;
	s21 =	sadd.s32 $0x2710, s7;
	[dreg:$0xe] =	wrdreg s20  }
0xf: {  	s24 =	sshrl.u32 s7, $0x3;
	s22 =	sadd.s32 $0x2EE0, s7;
	[dreg:$0xf] =	wrdreg s21  }
0x10: {  	s23 =	sadd.s32 $0x36B0, s7;
	s0 =	sadd.s32 $0x600, s0;
	[dreg:$0x10] =	wrdreg s22  }
0x11: {  	s17 =	sadd.s32 s16, s24;
	s25 =	sadd.s32 s2, s24;
	[dreg:$0x11] =	wrdreg s23  }
0x12: {  	s26 =	sadd.s32 $0xFA, s24;
	s11 =	sadd.s32 $0x1F4, s24;
	[dreg:$0x14] =	wrdreg s0  }
0x13: {  	s6 =	sadd.s32 $0x2EE, s24;
	s24 =	sadd.s32 $0x3E80, s7;
	[dreg:$0x6] =	wrdreg s25  }
0x14: {  	s10 =	simm.s32 $0x3;
	s23 =	simm.s32 $0x2800;
	[dreg:$0x12] =	wrdreg s24  }
0x15: {  	s0 =	simm.s32 $0x6;
	s9 =	sadd.s32 s16, s26;
	[dreg:$0x5] =	wrdreg s17  }
0x16: {  	s7 =	simm.s32 $0x2000;
	s12 =	sadd.s32 s2, s26;
	[dreg:$0x7] =	wrdreg s9  }
0x17: {  	s20 =	simm.s32 $0x1D800;
	s13 =	sadd.s32 s16, s11;
	[dreg:$0x8] =	wrdreg s12  }
0x18: {  	s22 =	simm.s32 $0x0;
	s14 =	sadd.s32 s2, s11;
	[dreg:$0x9] =	wrdreg s13  }
0x19: {  	s15 =	sadd.s32 s16, s6;
	s19 =	sadd.s32 s2, s6;
	[dreg:$0xa] =	wrdreg s14  }
.Ltmp0:
0x1a: {  	s25 =	sadd.s32 $0x61A6, s17;
	[dreg:$0xb] =	wrdreg s15;
	(pc) =	sbr.rel .LBB2_1-.Ltmp0, $4  }
0x1b: {  	v0 =	vlaneseq.u32;
	s26 =	smax.u32 s3, $0x1;
	s24 =	simm.s32 $0x800;
	[dreg:$0xc] =	wrdreg s19  }
0x1c: {  	v1 =	vmul.u32 $0x7D, v0;
	s3 =	simm.s32 $0x1;
	s11 =	simm.s32 $0x4;
	[dreg:$0x13] =	wrdreg s25  }
0x1d: {  	[dreg:$0x15] =	wrdreg s26;
	s25 =	simm.s32 $0x3000;
	s26 =	simm.s32 $0x1000  }
0x1e: {  	v2 =	vimm.f32 $0.0e+00;
	v3 =	vadd.s32 $0x7C, v1;
	s9 =	simm.s32 $0x2;
	s12 =	simm.s32 $0x5;
	s13 =	simm.s32 $0x100  }
.LBB2_19:
0x1f: {  	[tilespmem:$0x1D820] =	vst v5  }
0x20: {  	[tilespmem:$0x1D810] =	vst v4  }
0x21: {  	[spmem:s4] =	stream.indirect.scatter.add.f32 [tilespmem:s21], [sflag:$0x6], $0x1, s20, s13, $0xb8;
	[tilespmem:$0x1F280] =	vst v63  }
0x22: {  	_ =	swait.ge [sflag:s0], $0x100  }
0x23: {  	s17 =	rddreg [dreg:$0x5]  }
0x24: {  	[sflag:s0] =	ssyncset.done $0x0;
	s18 =	rddreg [dreg:$0xd]  }
0x25: {  	s22 =	rddreg [dreg:$0x16];
	[sflag:s0] =	ssyncadd.s32 $0xFFFFFF00  }
0x26: {  	s16 =	rddreg [dreg:$0x0]  }
.LBB2_20:
0x27: {  	s1 =	stileid.u32;
	[bflag:$0x0] =	sbarrier.arrive $0xFFFF  }
0x28: {  	s6 =	sshrl.u32 s18, $0x3;
	s15 =	simm.s32 $0x20;
	s1 =	sshll.u32 s1, $0x6  }
0x29: {  	s19 =	simm.s32 $0x10;
	s14 =	rddreg [dreg:$0x14];
	s1 =	sor.u32 $0x1C06, s1  }
0x2a: {  	[hbm:s14@s15], [sflag:s1] =	dma.strided [spmem:s6@s19], $0x310, s3, $0x10   }
0x2b: {  	_ =	swait.ge [sflag:s0], $0x310  }
0x2c: {  	s22 =	sadd.s32 $0x1, s22;
	s21 =	rddreg [dreg:$0x15]  }
0x2d: {  	p0 =	sne.s32 s22, s21  }
.Ltmp1:
0x2e: {  	_ = 	snop;
	(pc) =	sbr.rel @!p0 .LBB2_21-.Ltmp1, $3  }
0x2f: {  	_ =	sdelay $0x1  }
0x30: {  	[sflag:s0] =	ssyncset.done $0x0  }
0x31: {  	[sflag:s0] =	ssyncadd.s32 $0xFFFFFCF0  }
.LBB2_1:
0x32: {  	[dreg:$0x16] =	wrdreg s22  }
0x33: {  	[tilespmem:s5], [sflag:$0x1] =	stream.linear.gather [hbm4b:s17+s5], $0x7D0, $0x38;
	[tilespmem:$0x1F280] =	vst v63  }
0x34: {  	s1 =	rddreg [dreg:$0x6]  }
0x35: {  	[tilespmem:s23], [sflag:$0x1] =	stream.linear.gather [hbm4b:s1+s5], $0x7D0, $0x38;
	[tilespmem:$0x1F280] =	vst v63  }
0x36: {  	s6 =	rddreg [dreg:$0x7]  }
0x37: {  	[tilespmem:s24], [sflag:$0x2] =	stream.linear.gather [hbm4b:s6+s5], $0x7D0, $0x38;
	[tilespmem:$0x1F280] =	vst v63  }
0x38: {  	s14 =	rddreg [dreg:$0x8]  }
0x39: {  	[tilespmem:s25], [sflag:$0x2] =	stream.linear.gather [hbm4b:s14+s5], $0x7D0, $0x38;
	[tilespmem:$0x1F280] =	vst v63  }
0x3a: {  	s15 =	rddreg [dreg:$0x9]  }
0x3b: {  	[tilespmem:s26], [sflag:$0x3] =	stream.linear.gather [hbm4b:s15+s5], $0x7D0, $0x38;
	[tilespmem:$0x1F280] =	vst v63  }
0x3c: {  	s19 =	rddreg [dreg:$0xa]  }
0x3d: {  	[tilespmem:s28], [sflag:$0x3] =	stream.linear.gather [hbm4b:s19+s5], $0x7D0, $0x38;
	[tilespmem:$0x1F280] =	vst v63  }
0x3e: {  	s21 =	rddreg [dreg:$0xb]  }
0x3f: {  	[tilespmem:s29], [sflag:$0x4] =	stream.linear.gather [hbm4b:s21+s5], $0x7D0, $0x38;
	[tilespmem:$0x1F280] =	vst v63  }
0x40: {  	s22 =	rddreg [dreg:$0xc];
	s6 =	simm.s32 $0x5040  }
0x41: {  	[tilespmem:s30], [sflag:$0x4] =	stream.linear.gather [hbm4b:s22+s5], $0x7D0, $0x38;
	[tilespmem:$0x1F280] =	vst v63  }
0x42: {  	[tilespmem:s6+$0xFFFFFFC0] =	vst v2  }
0x43: {  	[tilespmem:s6+$0x30] =	vst v2  }
0x44: {  	[tilespmem:s6+$0x20] =	vst v2  }
0x45: {  	[tilespmem:s6+$0x10] =	vst v2  }
0x46: {  	[tilespmem:s6+$0x0] =	vst v2  }
0x47: {  	[tilespmem:s6+$0xFFFFFFF0] =	vst v2  }
0x48: {  	s14 =	simm.s32 $0x0;
	[tilespmem:s6+$0xFFFFFFE0] =	vst v2  }
.LBB2_2:
0x49: {  	s14 =	sadd.s32 $0x8, s14;
	[tilespmem:s6+$0xFFFFFFD0] =	vst v2;
	s6 =	sadd.s32 $0x80, s6  }
0x4a: {  	[tilespmem:s6+$0xFFFFFFC0] =	vst v2;
	p0 =	slt.u32 s14, $0x1878  }
0x4b: {  	[tilespmem:s6+$0x30] =	vst v2  }
.Ltmp2:
0x4c: {  	[tilespmem:s6+$0x20] =	vst v2;
	(pc) =	sbr.rel @p0 .LBB2_2-.Ltmp2, $4  }
0x4d: {  	[tilespmem:s6+$0x10] =	vst v2  }
0x4e: {  	[tilespmem:s6+$0x0] =	vst v2  }
0x4f: {  	[tilespmem:s6+$0xFFFFFFF0] =	vst v2  }
0x50: {  	[tilespmem:s6+$0xFFFFFFE0] =	vst v2  }
0x51: {  	[tilespmem:s6+$0xFFFFFFD0] =	vst v2  }
0x52: {  	[spmem:s18] =	stream.linear.scatter [tilespmem:s31], [sflag:$0x6], $0x1880, $0x38;
	[tilespmem:$0x1F280] =	vst v63  }
0x53: {  	_ =	swait.ge [sflag:s0], $0x1880  }
0x54: {  	[sflag:s0] =	ssyncset.done $0x0  }
0x55: {  	[sflag:s0] =	ssyncadd.s32 $0xFFFFE780  }
0x56: {  	[bflag:$0x0] =	sbarrier.arrive $0xFFFF  }
0x57: {  	v8 =	vimm.s32 $0x0;
	v9 =	vimm.f32 $0.0e+00;
	s14 =	simm.s32 $0x0;
	s1 =	rddreg [dreg:$0xe]  }
.LBB2_4:
0x58: {  	_ =	swait.ge [sflag:s3], $0x7D0;
	s6 =	simm.s32 $0x0  }
0x59: {  	[sflag:s3] =	ssyncset.done $0x0;
	v4 =	vadd.s32 s6, v1  }
0x5a: {  	[sflag:s3] =	ssyncadd.s32 $0xFFFFF830  }
0x5b: {  	s21 =	simm.s32 $0x1;
	_ =	swait.ge [sflag:s3], $0x7D0  }
0x5c: {  	v5 =	vadd.s32 s21, v1;
	[sflag:s3] =	ssyncset.done $0x0  }
0x5d: {  	[sflag:s3] =	ssyncadd.s32 $0xFFFFF830  }
0x5e: {  	s22 =	simm.s32 $0x2;
	v6 =	vld.idx.msk [tilespmem:v4+s23+$0x0], $0xffff  }
0x5f: {  	v10 =	vld.idx.msk [tilespmem:v4+s5+$0x0], $0xffff;
	v4 =	vadd.s32 s22, v1;
	_ =	sdelay $0x1  }
0x60: {  	s15 =	simm.s32 $0x3;
	v11 =	vld.idx.msk [tilespmem:v5+s23+$0x0], $0xffff  }
0x61: {  	v12 =	vadd.s32 s15, v1;
	v7 =	vld.idx.msk [tilespmem:v5+s5+$0x0], $0xffff  }
0x62: {  	s19 =	simm.s32 $0x4;
	v5 =	vadd.f32 v6, v9  }
0x63: {  	v14 =	vadd.s32 s19, v1;
	v15 =	vld.idx.msk [tilespmem:v4+s23+$0x0], $0xffff;
	vm0 =	vne.s32 v10, v8  }
0x64: {  	v4 =	vld.idx.msk [tilespmem:v4+s5+$0x0], $0xffff;
	v16 =	vsel vm0, v6, v5  }
0x65: {  	s21 =	simm.s32 $0x5;
	v5 =	vadd.f32 v11, v16  }
0x66: {  	v17 =	vadd.s32 s21, v1;
	v18 =	vld.idx.msk [tilespmem:v12+s23+$0x0], $0xffff;
	vm1 =	vne.s32 v7, v10  }
0x67: {  	v6 =	vld.idx.msk [tilespmem:v12+s5+$0x0], $0xffff;
	v11 =	vsel vm1, v11, v5  }
0x68: {  	v13 =	vld.idx.msk [tilespmem:v14+s23+$0x0], $0xffff;
	s22 =	simm.s32 $0x6;
	v12 =	vadd.f32 v15, v11  }
0x69: {  	v5 =	vld.idx.msk [tilespmem:v14+s5+$0x0], $0xffff;
	v14 =	vadd.s32 s22, v1;
	vm2 =	vne.s32 v4, v7  }
0x6a: {  	[tilespmem:v8+s31+$0x0] =	vst.idx.add.f32.msk vm0, v9;
	v8 =	vsel vm2, v15, v12  }
0x6b: {  	s21 =	simm.s32 $0x7;
	v9 =	vld.idx.msk [tilespmem:v17+s5+$0x0], $0xffff;
	v15 =	vadd.f32 v18, v8  }
0x6c: {  	vm0 =	vne.s32 v6, v4;
	v12 =	vld.idx.msk [tilespmem:v17+s23+$0x0], $0xffff;
	v17 =	vadd.s32 s21, v1  }
0x6d: {  	[tilespmem:v10+s31+$0x0] =	vst.idx.add.f32.msk vm1, v16;
	v10 =	vsel vm0, v18, v15  }
0x6e: {  	s6 =	simm.s32 $0x8;
	v15 =	vld.idx.msk [tilespmem:v14+s23+$0x0], $0xffff;
	v18 =	vadd.f32 v13, v10  }
0x6f: {  	v16 =	vadd.s32 s6, v1;
	s21 =	simm.s32 $0xC;
	vm1 =	vne.s32 v5, v6;
	v14 =	vld.idx.msk [tilespmem:v14+s5+$0x0], $0xffff  }
.LBB2_5:
0x70: {  	p0 =	slt.u32 s21, $0x78;
	v18 =	vsel vm1, v13, v18;
	[tilespmem:v7+s31+$0x0] =	vst.idx.add.f32.msk vm2, v11  }
0x71: {  	s22 =	sadd.s32 $0x1, s6;
	v11 =	vadd.f32 v12, v18;
	v19 =	vld.idx.msk [tilespmem:v17+s23+$0x0], $0xffff;
	v7 =	vmov v9  }
0x72: {  	v9 =	vadd.s32 s22, v1;
	vm3 =	vne.s32 v7, v5;
	v20 =	vld.idx.msk [tilespmem:v17+s5+$0x0], $0xffff  }
0x73: {  	v11 =	vsel vm3, v12, v11;
	[tilespmem:v4+s31+$0x0] =	vst.idx.add.f32.msk vm0, v8  }
0x74: {  	s22 =	sadd.s32 $0x2, s6;
	v13 =	vld.idx.msk [tilespmem:v16+s23+$0x0], $0xffff;
	v8 =	vadd.f32 v15, v11;
	v4 =	vmov v14  }
0x75: {  	v21 =	vadd.s32 s22, v1;
	v14 =	vld.idx.msk [tilespmem:v16+s5+$0x0], $0xffff;
	vm2 =	vne.s32 v4, v7  }
0x76: {  	[tilespmem:v6+s31+$0x0] =	vst.idx.add.f32.msk vm1, v10;
	v8 =	vsel vm2, v15, v8  }
.Ltmp3:
0x77: {  	s22 =	sadd.s32 $0x3, s6;
	s6 =	smov.u32 s21;
	v12 =	vld.idx.msk [tilespmem:v9+s23+$0x0], $0xffff;
	v10 =	vadd.f32 v19, v8;
	v6 =	vmov v20;
	(pc) =	sbr.rel @p0 .LBB2_5-.Ltmp3, $4  }
0x78: {  	v17 =	vadd.s32 s22, v1;
	vm0 =	vne.s32 v20, v4;
	v9 =	vld.idx.msk [tilespmem:v9+s5+$0x0], $0xffff  }
0x79: {  	[tilespmem:v5+s31+$0x0] =	vst.idx.add.f32.msk vm3, v18;
	v10 =	vsel vm0, v19, v10  }
0x7a: {  	v18 =	vadd.f32 v13, v10;
	v15 =	vld.idx.msk [tilespmem:v21+s23+$0x0], $0xffff;
	v5 =	vmov v14  }
0x7b: {  	s21 =	sadd.s32 $0x4, s21;
	v16 =	vadd.s32 s6, v1;
	vm1 =	vne.s32 v5, v20;
	v14 =	vld.idx.msk [tilespmem:v21+s5+$0x0], $0xffff  }
0x7c: {  	_ =	sdelay $0x3  }
0x7d: {  	s21 =	sadd.s32 $0x1, s6  }
0x7e: {  	v13 =	vsel vm1, v13, v18;
	[tilespmem:v7+s31+$0x0] =	vst.idx.add.f32.msk vm2, v11;
	v7 =	vadd.s32 s21, v1  }
0x7f: {  	v18 =	vld.idx.msk [tilespmem:v17+s23+$0x0], $0xffff;
	s19 =	sadd.s32 $0x2, s6;
	v11 =	vadd.f32 v12, v13  }
0x80: {  	v17 =	vld.idx.msk [tilespmem:v17+s5+$0x0], $0xffff;
	s22 =	sadd.s32 $0x3, s6;
	vm2 =	vne.s32 v9, v5;
	v19 =	vadd.s32 s19, v1  }
0x81: {  	v20 =	vadd.s32 s22, v1;
	v11 =	vsel vm2, v12, v11;
	v12 =	vld.idx.msk [tilespmem:v16+s23+$0x0], $0xffff  }
0x82: {  	v16 =	vld.idx.msk [tilespmem:v16+s5+$0x0], $0xffff;
	v21 =	vadd.f32 v15, v11  }
0x83: {  	vm3 =	vne.s32 v14, v9;
	v22 =	vld.idx.msk [tilespmem:v7+s23+$0x0], $0xffff  }
0x84: {  	v15 =	vsel vm3, v15, v21;
	v7 =	vld.idx.msk [tilespmem:v7+s5+$0x0], $0xffff  }
0x85: {  	v23 =	vld.idx.msk [tilespmem:v19+s5+$0x0], $0xffff;
	v21 =	vadd.f32 v18, v15  }
0x86: {  	vm4 =	vne.s32 v17, v14;
	v24 =	vld.idx.msk [tilespmem:v20+s5+$0x0], $0xffff  }
0x87: {  	[tilespmem:v4+s31+$0x0] =	vst.idx.add.f32.msk vm0, v8;
	vm0 =	vne.s32 v16, v17;
	v4 =	vsel vm4, v18, v21  }
0x88: {  	[tilespmem:v6+s31+$0x0] =	vst.idx.add.f32.msk vm1, v10;
	v6 =	vadd.f32 v12, v4  }
0x89: {  	v8 =	vld.idx.msk [tilespmem:v19+s23+$0x0], $0xffff;
	vm1 =	vne.s32 v7, v16  }
0x8a: {  	[tilespmem:v5+s31+$0x0] =	vst.idx.add.f32.msk vm2, v13;
	vm2 =	vne.s32 v23, v7;
	v5 =	vsel vm0, v12, v6  }
0x8b: {  	[tilespmem:v9+s31+$0x0] =	vst.idx.add.f32.msk vm3, v11;
	vm3 =	vne.s32 v24, v23;
	v6 =	vadd.f32 v22, v5  }
0x8c: {  	[tilespmem:v14+s31+$0x0] =	vst.idx.add.f32.msk vm4, v15  }
0x8d: {  	[tilespmem:v17+s31+$0x0] =	vst.idx.add.f32.msk vm0, v4;
	v4 =	vsel vm1, v22, v6  }
0x8e: {  	v6 =	vld.idx.msk [tilespmem:v20+s23+$0x0], $0xffff;
	v9 =	vadd.f32 v8, v4  }
0x8f: {  	[tilespmem:v16+s31+$0x0] =	vst.idx.add.f32.msk vm1, v5  }
0x90: {  	[tilespmem:v7+s31+$0x0] =	vst.idx.add.f32.msk vm2, v4;
	v5 =	vsel vm2, v8, v9  }
0x91: {  	s21 =	simm.s32 $0x0;
	[tilespmem:v23+s31+$0x0] =	vst.idx.add.f32.msk vm3, v5  }
0x92: {  	v8 =	vld.idx.msk [tilespmem:v3+s21+$0x0], $0xffff;
	_ =	sdelay $0x4  }
0x93: {  	vm0 =	vne.s32 v8, v24;
	_ =	sdelay $0x1  }
0x94: {  	s6 =	smul.u32 $0x2710, s14  }
0x95: {  	v4 =	vadd.f32 v6, v5  }
0x96: {  	s22 =	sadd.s32 s6, s1  }
0x97: {  	s22 =	sshrl.u32 s22, $0x3;
	v5 =	vld.idx.msk [tilespmem:v3+s23+$0x0], $0xffff;
	v4 =	vsel vm3, v6, v4  }
0x98: {  	s19 =	sadd.s32 s16, s22;
	[tilespmem:v24+s31+$0x0] =	vst.idx.add.f32.msk vm0, v4  }
0x99: {  	[tilespmem:s7], [sflag:$0x5] =	stream.linear.gather [hbm4b:s19+s21], $0x7D0, $0x38;
	[tilespmem:$0x1F280] =	vst v63  }
0x9a: {  	s15 =	sadd.s32 s2, s22  }
0x9b: {  	[tilespmem:s8], [sflag:$0x5] =	stream.linear.gather [hbm4b:s15+s21], $0x7D0, $0x38;
	[tilespmem:$0x1F280] =	vst v63  }
0x9c: {  	_ =	swait.ge [sflag:s9], $0x7D0  }
0x9d: {  	v6 =	vadd.s32 s21, v1;
	[sflag:s9] =	ssyncset.done $0x0  }
0x9e: {  	s22 =	simm.s32 $0x1;
	[sflag:s9] =	ssyncadd.s32 $0xFFFFF830  }
0x9f: {  	v7 =	vadd.s32 s22, v1;
	_ =	swait.ge [sflag:s9], $0x7D0  }
0xa0: {  	[sflag:s9] =	ssyncset.done $0x0  }
0xa1: {  	[sflag:s9] =	ssyncadd.s32 $0xFFFFF830  }
0xa2: {  	v9 =	vld.idx.msk [tilespmem:v6+s25+$0x0], $0xffff  }
0xa3: {  	s15 =	simm.s32 $0x2;
	v10 =	vld.idx.msk [tilespmem:v6+s24+$0x0], $0xffff  }
0xa4: {  	v6 =	vadd.s32 s15, v1;
	v11 =	vld.idx.msk [tilespmem:v7+s25+$0x0], $0xffff  }
0xa5: {  	v4 =	vadd.f32 v5, v4;
	s21 =	simm.s32 $0x3;
	v7 =	vld.idx.msk [tilespmem:v7+s24+$0x0], $0xffff  }
0xa6: {  	s22 =	simm.s32 $0x4;
	v12 =	vadd.s32 s21, v1  }
0xa7: {  	v15 =	vadd.s32 s22, v1;
	v14 =	vsel vm0, v5, v4  }
0xa8: {  	v5 =	vadd.f32 v9, v14  }
0xa9: {  	v16 =	vld.idx.msk [tilespmem:v6+s25+$0x0], $0xffff;
	vm0 =	vne.s32 v10, v8  }
0xaa: {  	v4 =	vld.idx.msk [tilespmem:v6+s24+$0x0], $0xffff;
	vm1 =	vne.s32 v7, v10;
	v17 =	vsel vm0, v9, v5  }
0xab: {  	s15 =	simm.s32 $0x5;
	v18 =	vld.idx.msk [tilespmem:v12+s25+$0x0], $0xffff;
	v5 =	vadd.f32 v11, v17  }
0xac: {  	v13 =	vld.idx.msk [tilespmem:v15+s25+$0x0], $0xffff;
	v9 =	vadd.s32 s15, v1  }
0xad: {  	v6 =	vld.idx.msk [tilespmem:v12+s24+$0x0], $0xffff;
	v11 =	vsel vm1, v11, v5  }
0xae: {  	s21 =	simm.s32 $0x6;
	v5 =	vld.idx.msk [tilespmem:v15+s24+$0x0], $0xffff;
	v12 =	vadd.f32 v16, v11  }
0xaf: {  	v19 =	vadd.s32 s21, v1;
	vm2 =	vne.s32 v4, v7;
	[tilespmem:v8+s31+$0x0] =	vst.idx.add.f32.msk vm0, v14  }
0xb0: {  	[tilespmem:v10+s31+$0x0] =	vst.idx.add.f32.msk vm1, v17;
	v8 =	vsel vm2, v16, v12  }
0xb1: {  	s22 =	simm.s32 $0x7;
	v12 =	vld.idx.msk [tilespmem:v9+s25+$0x0], $0xffff;
	v14 =	vadd.f32 v18, v8  }
0xb2: {  	vm0 =	vne.s32 v6, v4;
	v17 =	vadd.s32 s22, v1;
	v9 =	vld.idx.msk [tilespmem:v9+s24+$0x0], $0xffff  }
0xb3: {  	v10 =	vsel vm0, v18, v14  }
0xb4: {  	s21 =	simm.s32 $0x8;
	v15 =	vld.idx.msk [tilespmem:v19+s25+$0x0], $0xffff;
	v18 =	vadd.f32 v13, v10  }
0xb5: {  	s22 =	simm.s32 $0xC;
	v16 =	vadd.s32 s21, v1;
	vm1 =	vne.s32 v5, v6;
	v14 =	vld.idx.msk [tilespmem:v19+s24+$0x0], $0xffff  }
.LBB2_7:
0xb6: {  	p0 =	slt.u32 s22, $0x78;
	v18 =	vsel vm1, v13, v18;
	[tilespmem:v7+s31+$0x0] =	vst.idx.add.f32.msk vm2, v11  }
0xb7: {  	s19 =	sadd.s32 $0x1, s21;
	v11 =	vadd.f32 v12, v18;
	v19 =	vld.idx.msk [tilespmem:v17+s25+$0x0], $0xffff;
	v7 =	vmov v9  }
0xb8: {  	v9 =	vadd.s32 s19, v1;
	vm3 =	vne.s32 v7, v5;
	v20 =	vld.idx.msk [tilespmem:v17+s24+$0x0], $0xffff  }
0xb9: {  	v11 =	vsel vm3, v12, v11;
	[tilespmem:v4+s31+$0x0] =	vst.idx.add.f32.msk vm0, v8  }
0xba: {  	s19 =	sadd.s32 $0x2, s21;
	v13 =	vld.idx.msk [tilespmem:v16+s25+$0x0], $0xffff;
	v8 =	vadd.f32 v15, v11;
	v4 =	vmov v14  }
0xbb: {  	v21 =	vadd.s32 s19, v1;
	v14 =	vld.idx.msk [tilespmem:v16+s24+$0x0], $0xffff;
	vm2 =	vne.s32 v4, v7  }
0xbc: {  	[tilespmem:v6+s31+$0x0] =	vst.idx.add.f32.msk vm1, v10;
	v8 =	vsel vm2, v15, v8  }
.Ltmp4:
0xbd: {  	s19 =	sadd.s32 $0x3, s21;
	s21 =	smov.u32 s22;
	v12 =	vld.idx.msk [tilespmem:v9+s25+$0x0], $0xffff;
	v10 =	vadd.f32 v19, v8;
	v6 =	vmov v20;
	(pc) =	sbr.rel @p0 .LBB2_7-.Ltmp4, $4  }
0xbe: {  	v17 =	vadd.s32 s19, v1;
	vm0 =	vne.s32 v20, v4;
	v9 =	vld.idx.msk [tilespmem:v9+s24+$0x0], $0xffff  }
0xbf: {  	[tilespmem:v5+s31+$0x0] =	vst.idx.add.f32.msk vm3, v18;
	v10 =	vsel vm0, v19, v10  }
0xc0: {  	v18 =	vadd.f32 v13, v10;
	v15 =	vld.idx.msk [tilespmem:v21+s25+$0x0], $0xffff;
	v5 =	vmov v14  }
0xc1: {  	s22 =	sadd.s32 $0x4, s22;
	v16 =	vadd.s32 s21, v1;
	vm1 =	vne.s32 v5, v20;
	v14 =	vld.idx.msk [tilespmem:v21+s24+$0x0], $0xffff  }
0xc2: {  	_ =	sdelay $0x3  }
0xc3: {  	s19 =	sadd.s32 $0x1, s21  }
0xc4: {  	v13 =	vsel vm1, v13, v18;
	[tilespmem:v7+s31+$0x0] =	vst.idx.add.f32.msk vm2, v11;
	v7 =	vadd.s32 s19, v1  }
0xc5: {  	v18 =	vld.idx.msk [tilespmem:v17+s25+$0x0], $0xffff;
	s22 =	sadd.s32 $0x2, s21;
	v11 =	vadd.f32 v12, v13  }
0xc6: {  	v17 =	vld.idx.msk [tilespmem:v17+s24+$0x0], $0xffff;
	s15 =	sadd.s32 $0x3, s21;
	vm2 =	vne.s32 v9, v5;
	v19 =	vadd.s32 s22, v1  }
0xc7: {  	v20 =	vadd.s32 s15, v1;
	v11 =	vsel vm2, v12, v11;
	v12 =	vld.idx.msk [tilespmem:v16+s25+$0x0], $0xffff  }
0xc8: {  	v16 =	vld.idx.msk [tilespmem:v16+s24+$0x0], $0xffff;
	v21 =	vadd.f32 v15, v11  }
0xc9: {  	vm3 =	vne.s32 v14, v9;
	v22 =	vld.idx.msk [tilespmem:v7+s25+$0x0], $0xffff  }
0xca: {  	v15 =	vsel vm3, v15, v21;
	v7 =	vld.idx.msk [tilespmem:v7+s24+$0x0], $0xffff  }
0xcb: {  	v23 =	vld.idx.msk [tilespmem:v19+s24+$0x0], $0xffff;
	v21 =	vadd.f32 v18, v15  }
0xcc: {  	vm4 =	vne.s32 v17, v14;
	v24 =	vld.idx.msk [tilespmem:v20+s24+$0x0], $0xffff  }
0xcd: {  	[tilespmem:v4+s31+$0x0] =	vst.idx.add.f32.msk vm0, v8;
	vm0 =	vne.s32 v16, v17;
	v4 =	vsel vm4, v18, v21  }
0xce: {  	[tilespmem:v6+s31+$0x0] =	vst.idx.add.f32.msk vm1, v10;
	v6 =	vadd.f32 v12, v4  }
0xcf: {  	v8 =	vld.idx.msk [tilespmem:v19+s25+$0x0], $0xffff;
	vm1 =	vne.s32 v7, v16  }
0xd0: {  	[tilespmem:v5+s31+$0x0] =	vst.idx.add.f32.msk vm2, v13;
	vm2 =	vne.s32 v23, v7;
	v5 =	vsel vm0, v12, v6  }
0xd1: {  	[tilespmem:v9+s31+$0x0] =	vst.idx.add.f32.msk vm3, v11;
	vm3 =	vne.s32 v24, v23;
	v6 =	vadd.f32 v22, v5  }
0xd2: {  	[tilespmem:v14+s31+$0x0] =	vst.idx.add.f32.msk vm4, v15  }
0xd3: {  	[tilespmem:v17+s31+$0x0] =	vst.idx.add.f32.msk vm0, v4;
	v4 =	vsel vm1, v22, v6  }
0xd4: {  	v6 =	vld.idx.msk [tilespmem:v20+s25+$0x0], $0xffff;
	v9 =	vadd.f32 v8, v4  }
0xd5: {  	[tilespmem:v16+s31+$0x0] =	vst.idx.add.f32.msk vm1, v5  }
0xd6: {  	[tilespmem:v7+s31+$0x0] =	vst.idx.add.f32.msk vm2, v4;
	v5 =	vsel vm2, v8, v9  }
0xd7: {  	[tilespmem:v23+s31+$0x0] =	vst.idx.add.f32.msk vm3, v5  }
0xd8: {  	v8 =	vld.idx.msk [tilespmem:v3+s24+$0x0], $0xffff;
	_ =	sdelay $0x4  }
0xd9: {  	vm0 =	vne.s32 v8, v24;
	_ =	sdelay $0x2  }
0xda: {  	p0 =	seq.s32 s14, $0x13;
	v4 =	vadd.f32 v6, v5;
	s15 =	rddreg [dreg:$0xf]  }
0xdb: {  	s19 =	sadd.s32 @!p0 s6, s15  }
0xdc: {  	v5 =	vld.idx.msk [tilespmem:v3+s25+$0x0], $0xffff;
	v4 =	vsel vm3, v6, v4;
	s19 =	sshrl.u32 @!p0 s19, $0x3  }
0xdd: {  	s22 =	simm.s32 @!p0 $0x0;
	s21 =	sadd.s32 @!p0 s16, s19;
	[tilespmem:v24+s31+$0x0] =	vst.idx.add.f32.msk vm0, v4  }
0xde: {  	[tilespmem:s22], [sflag:$0x1] =	stream.linear.gather @!p0 [hbm4b:s21+s22], $0x7D0, $0x38;
	[tilespmem:$0x1F280] =	vst v63  }
0xdf: {  	s19 =	sadd.s32 @!p0 s2, s19;
	s21 =	simm.s32 @!p0 $0x2800  }
0xe0: {  	[tilespmem:s21], [sflag:$0x1] =	stream.linear.gather @!p0 [hbm4b:s19+s22], $0x7D0, $0x38;
	[tilespmem:$0x1F280] =	vst v63  }
0xe1: {  	s21 =	simm.s32 $0x0;
	_ =	swait.ge [sflag:s10], $0x7D0  }
0xe2: {  	v6 =	vadd.s32 s21, v1;
	[sflag:s10] =	ssyncset.done $0x0  }
0xe3: {  	s22 =	simm.s32 $0x1;
	[sflag:s10] =	ssyncadd.s32 $0xFFFFF830  }
0xe4: {  	v7 =	vadd.s32 s22, v1;
	_ =	swait.ge [sflag:s10], $0x7D0  }
0xe5: {  	[sflag:s10] =	ssyncset.done $0x0  }
0xe6: {  	[sflag:s10] =	ssyncadd.s32 $0xFFFFF830  }
0xe7: {  	v9 =	vld.idx.msk [tilespmem:v6+s28+$0x0], $0xffff  }
0xe8: {  	s15 =	simm.s32 $0x2;
	v10 =	vld.idx.msk [tilespmem:v6+s26+$0x0], $0xffff  }
0xe9: {  	v6 =	vadd.s32 s15, v1;
	v11 =	vld.idx.msk [tilespmem:v7+s28+$0x0], $0xffff  }
0xea: {  	v4 =	vadd.f32 v5, v4;
	s21 =	simm.s32 $0x3;
	v7 =	vld.idx.msk [tilespmem:v7+s26+$0x0], $0xffff  }
0xeb: {  	s22 =	simm.s32 $0x4;
	v12 =	vadd.s32 s21, v1  }
0xec: {  	v14 =	vsel vm0, v5, v4;
	v15 =	vadd.s32 s22, v1  }
0xed: {  	v5 =	vadd.f32 v9, v14  }
0xee: {  	v16 =	vld.idx.msk [tilespmem:v6+s28+$0x0], $0xffff;
	vm0 =	vne.s32 v10, v8  }
0xef: {  	v4 =	vld.idx.msk [tilespmem:v6+s26+$0x0], $0xffff;
	vm1 =	vne.s32 v7, v10;
	v17 =	vsel vm0, v9, v5  }
0xf0: {  	s15 =	simm.s32 $0x5;
	v18 =	vld.idx.msk [tilespmem:v12+s28+$0x0], $0xffff;
	v5 =	vadd.f32 v11, v17  }
0xf1: {  	v13 =	vld.idx.msk [tilespmem:v15+s28+$0x0], $0xffff;
	v9 =	vadd.s32 s15, v1  }
0xf2: {  	v6 =	vld.idx.msk [tilespmem:v12+s26+$0x0], $0xffff;
	v11 =	vsel vm1, v11, v5  }
0xf3: {  	s21 =	simm.s32 $0x6;
	v5 =	vld.idx.msk [tilespmem:v15+s26+$0x0], $0xffff;
	v12 =	vadd.f32 v16, v11  }
0xf4: {  	v19 =	vadd.s32 s21, v1;
	vm2 =	vne.s32 v4, v7;
	[tilespmem:v8+s31+$0x0] =	vst.idx.add.f32.msk vm0, v14  }
0xf5: {  	[tilespmem:v10+s31+$0x0] =	vst.idx.add.f32.msk vm1, v17;
	v8 =	vsel vm2, v16, v12  }
0xf6: {  	s22 =	simm.s32 $0x7;
	v12 =	vld.idx.msk [tilespmem:v9+s28+$0x0], $0xffff;
	v14 =	vadd.f32 v18, v8  }
0xf7: {  	vm0 =	vne.s32 v6, v4;
	v17 =	vadd.s32 s22, v1;
	v9 =	vld.idx.msk [tilespmem:v9+s26+$0x0], $0xffff  }
0xf8: {  	v10 =	vsel vm0, v18, v14  }
0xf9: {  	s21 =	simm.s32 $0x8;
	v15 =	vld.idx.msk [tilespmem:v19+s28+$0x0], $0xffff;
	v18 =	vadd.f32 v13, v10  }
0xfa: {  	s22 =	simm.s32 $0xC;
	v16 =	vadd.s32 s21, v1;
	vm1 =	vne.s32 v5, v6;
	v14 =	vld.idx.msk [tilespmem:v19+s26+$0x0], $0xffff  }
.LBB2_9:
0xfb: {  	p1 =	slt.u32 s22, $0x78;
	v18 =	vsel vm1, v13, v18;
	[tilespmem:v7+s31+$0x0] =	vst.idx.add.f32.msk vm2, v11  }
0xfc: {  	s19 =	sadd.s32 $0x1, s21;
	v11 =	vadd.f32 v12, v18;
	v19 =	vld.idx.msk [tilespmem:v17+s28+$0x0], $0xffff;
	v7 =	vmov v9  }
0xfd: {  	v9 =	vadd.s32 s19, v1;
	vm3 =	vne.s32 v7, v5;
	v20 =	vld.idx.msk [tilespmem:v17+s26+$0x0], $0xffff  }
0xfe: {  	v11 =	vsel vm3, v12, v11;
	[tilespmem:v4+s31+$0x0] =	vst.idx.add.f32.msk vm0, v8  }
0xff: {  	s19 =	sadd.s32 $0x2, s21;
	v13 =	vld.idx.msk [tilespmem:v16+s28+$0x0], $0xffff;
	v8 =	vadd.f32 v15, v11;
	v4 =	vmov v14  }
0x100: {  	v21 =	vadd.s32 s19, v1;
	v14 =	vld.idx.msk [tilespmem:v16+s26+$0x0], $0xffff;
	vm2 =	vne.s32 v4, v7  }
0x101: {  	[tilespmem:v6+s31+$0x0] =	vst.idx.add.f32.msk vm1, v10;
	v8 =	vsel vm2, v15, v8  }
.Ltmp5:
0x102: {  	s19 =	sadd.s32 $0x3, s21;
	s21 =	smov.u32 s22;
	v12 =	vld.idx.msk [tilespmem:v9+s28+$0x0], $0xffff;
	v10 =	vadd.f32 v19, v8;
	v6 =	vmov v20;
	(pc) =	sbr.rel @p1 .LBB2_9-.Ltmp5, $4  }
0x103: {  	v17 =	vadd.s32 s19, v1;
	vm0 =	vne.s32 v20, v4;
	v9 =	vld.idx.msk [tilespmem:v9+s26+$0x0], $0xffff  }
0x104: {  	[tilespmem:v5+s31+$0x0] =	vst.idx.add.f32.msk vm3, v18;
	v10 =	vsel vm0, v19, v10  }
0x105: {  	v18 =	vadd.f32 v13, v10;
	v15 =	vld.idx.msk [tilespmem:v21+s28+$0x0], $0xffff;
	v5 =	vmov v14  }
0x106: {  	s22 =	sadd.s32 $0x4, s22;
	v16 =	vadd.s32 s21, v1;
	vm1 =	vne.s32 v5, v20;
	v14 =	vld.idx.msk [tilespmem:v21+s26+$0x0], $0xffff  }
0x107: {  	_ =	sdelay $0x3  }
0x108: {  	s19 =	sadd.s32 $0x1, s21  }
0x109: {  	v13 =	vsel vm1, v13, v18;
	[tilespmem:v7+s31+$0x0] =	vst.idx.add.f32.msk vm2, v11;
	v7 =	vadd.s32 s19, v1  }
0x10a: {  	v18 =	vld.idx.msk [tilespmem:v17+s28+$0x0], $0xffff;
	s22 =	sadd.s32 $0x2, s21;
	v11 =	vadd.f32 v12, v13  }
0x10b: {  	v17 =	vld.idx.msk [tilespmem:v17+s26+$0x0], $0xffff;
	s15 =	sadd.s32 $0x3, s21;
	vm2 =	vne.s32 v9, v5;
	v19 =	vadd.s32 s22, v1  }
0x10c: {  	v20 =	vadd.s32 s15, v1;
	v11 =	vsel vm2, v12, v11;
	v12 =	vld.idx.msk [tilespmem:v16+s28+$0x0], $0xffff  }
0x10d: {  	v16 =	vld.idx.msk [tilespmem:v16+s26+$0x0], $0xffff;
	v21 =	vadd.f32 v15, v11  }
0x10e: {  	vm3 =	vne.s32 v14, v9;
	v22 =	vld.idx.msk [tilespmem:v7+s28+$0x0], $0xffff  }
0x10f: {  	v15 =	vsel vm3, v15, v21;
	v7 =	vld.idx.msk [tilespmem:v7+s26+$0x0], $0xffff  }
0x110: {  	v23 =	vld.idx.msk [tilespmem:v19+s26+$0x0], $0xffff;
	v21 =	vadd.f32 v18, v15  }
0x111: {  	vm4 =	vne.s32 v17, v14;
	v24 =	vld.idx.msk [tilespmem:v20+s26+$0x0], $0xffff  }
0x112: {  	[tilespmem:v4+s31+$0x0] =	vst.idx.add.f32.msk vm0, v8;
	vm0 =	vne.s32 v16, v17;
	v4 =	vsel vm4, v18, v21  }
0x113: {  	[tilespmem:v6+s31+$0x0] =	vst.idx.add.f32.msk vm1, v10;
	v6 =	vadd.f32 v12, v4  }
0x114: {  	v8 =	vld.idx.msk [tilespmem:v19+s28+$0x0], $0xffff;
	vm1 =	vne.s32 v7, v16  }
0x115: {  	[tilespmem:v5+s31+$0x0] =	vst.idx.add.f32.msk vm2, v13;
	vm2 =	vne.s32 v23, v7;
	v5 =	vsel vm0, v12, v6  }
0x116: {  	[tilespmem:v9+s31+$0x0] =	vst.idx.add.f32.msk vm3, v11;
	vm3 =	vne.s32 v24, v23;
	v6 =	vadd.f32 v22, v5  }
0x117: {  	[tilespmem:v14+s31+$0x0] =	vst.idx.add.f32.msk vm4, v15  }
0x118: {  	[tilespmem:v17+s31+$0x0] =	vst.idx.add.f32.msk vm0, v4;
	v4 =	vsel vm1, v22, v6  }
0x119: {  	v6 =	vld.idx.msk [tilespmem:v20+s28+$0x0], $0xffff;
	v9 =	vadd.f32 v8, v4  }
0x11a: {  	[tilespmem:v16+s31+$0x0] =	vst.idx.add.f32.msk vm1, v5  }
0x11b: {  	[tilespmem:v7+s31+$0x0] =	vst.idx.add.f32.msk vm2, v4;
	v5 =	vsel vm2, v8, v9  }
0x11c: {  	[tilespmem:v23+s31+$0x0] =	vst.idx.add.f32.msk vm3, v5  }
0x11d: {  	v8 =	vld.idx.msk [tilespmem:v3+s26+$0x0], $0xffff;
	_ =	sdelay $0x4  }
0x11e: {  	vm0 =	vne.s32 v8, v24;
	_ =	sdelay $0x2  }
0x11f: {  	v4 =	vadd.f32 v6, v5;
	s15 =	rddreg [dreg:$0x10]  }
0x120: {  	s19 =	sadd.s32 @!p0 s6, s15  }
0x121: {  	v5 =	vld.idx.msk [tilespmem:v3+s28+$0x0], $0xffff;
	v4 =	vsel vm3, v6, v4;
	s19 =	sshrl.u32 @!p0 s19, $0x3  }
0x122: {  	s22 =	simm.s32 @!p0 $0x0;
	s15 =	simm.s32 @!p0 $0x800;
	s21 =	sadd.s32 @!p0 s16, s19;
	[tilespmem:v24+s31+$0x0] =	vst.idx.add.f32.msk vm0, v4  }
0x123: {  	[tilespmem:s15], [sflag:$0x2] =	stream.linear.gather @!p0 [hbm4b:s21+s22], $0x7D0, $0x38;
	[tilespmem:$0x1F280] =	vst v63  }
0x124: {  	s15 =	sadd.s32 @!p0 s2, s19;
	s19 =	simm.s32 @!p0 $0x3000  }
0x125: {  	[tilespmem:s19], [sflag:$0x2] =	stream.linear.gather @!p0 [hbm4b:s15+s22], $0x7D0, $0x38;
	[tilespmem:$0x1F280] =	vst v63  }
0x126: {  	s21 =	simm.s32 $0x0;
	_ =	swait.ge [sflag:s11], $0x7D0  }
0x127: {  	v6 =	vadd.s32 s21, v1;
	[sflag:s11] =	ssyncset.done $0x0  }
0x128: {  	s22 =	simm.s32 $0x1;
	[sflag:s11] =	ssyncadd.s32 $0xFFFFF830  }
0x129: {  	v7 =	vadd.s32 s22, v1;
	_ =	swait.ge [sflag:s11], $0x7D0  }
0x12a: {  	[sflag:s11] =	ssyncset.done $0x0  }
0x12b: {  	[sflag:s11] =	ssyncadd.s32 $0xFFFFF830  }
0x12c: {  	v9 =	vld.idx.msk [tilespmem:v6+s30+$0x0], $0xffff  }
0x12d: {  	s19 =	simm.s32 $0x2;
	v10 =	vld.idx.msk [tilespmem:v6+s29+$0x0], $0xffff  }
0x12e: {  	v6 =	vadd.s32 s19, v1;
	v11 =	vld.idx.msk [tilespmem:v7+s30+$0x0], $0xffff  }
0x12f: {  	v4 =	vadd.f32 v5, v4;
	s21 =	simm.s32 $0x3;
	v7 =	vld.idx.msk [tilespmem:v7+s29+$0x0], $0xffff  }
0x130: {  	v12 =	vadd.s32 s21, v1;
	s22 =	simm.s32 $0x4  }
0x131: {  	v14 =	vsel vm0, v5, v4;
	v15 =	vadd.s32 s22, v1  }
0x132: {  	v5 =	vadd.f32 v9, v14  }
0x133: {  	v16 =	vld.idx.msk [tilespmem:v6+s30+$0x0], $0xffff;
	vm0 =	vne.s32 v10, v8  }
0x134: {  	v4 =	vld.idx.msk [tilespmem:v6+s29+$0x0], $0xffff;
	vm1 =	vne.s32 v7, v10;
	v17 =	vsel vm0, v9, v5  }
0x135: {  	s19 =	simm.s32 $0x5;
	v18 =	vld.idx.msk [tilespmem:v12+s30+$0x0], $0xffff;
	v5 =	vadd.f32 v11, v17  }
0x136: {  	v13 =	vld.idx.msk [tilespmem:v15+s30+$0x0], $0xffff;
	v9 =	vadd.s32 s19, v1  }
0x137: {  	v6 =	vld.idx.msk [tilespmem:v12+s29+$0x0], $0xffff;
	v11 =	vsel vm1, v11, v5  }
0x138: {  	s21 =	simm.s32 $0x6;
	v5 =	vld.idx.msk [tilespmem:v15+s29+$0x0], $0xffff;
	v12 =	vadd.f32 v16, v11  }
0x139: {  	v19 =	vadd.s32 s21, v1;
	vm2 =	vne.s32 v4, v7;
	[tilespmem:v8+s31+$0x0] =	vst.idx.add.f32.msk vm0, v14  }
0x13a: {  	[tilespmem:v10+s31+$0x0] =	vst.idx.add.f32.msk vm1, v17;
	v8 =	vsel vm2, v16, v12  }
0x13b: {  	s22 =	simm.s32 $0x7;
	v12 =	vld.idx.msk [tilespmem:v9+s30+$0x0], $0xffff;
	v14 =	vadd.f32 v18, v8  }
0x13c: {  	vm0 =	vne.s32 v6, v4;
	v17 =	vadd.s32 s22, v1;
	v9 =	vld.idx.msk [tilespmem:v9+s29+$0x0], $0xffff  }
0x13d: {  	v10 =	vsel vm0, v18, v14  }
0x13e: {  	s21 =	simm.s32 $0x8;
	v15 =	vld.idx.msk [tilespmem:v19+s30+$0x0], $0xffff;
	v18 =	vadd.f32 v13, v10  }
0x13f: {  	s22 =	simm.s32 $0xC;
	v16 =	vadd.s32 s21, v1;
	vm1 =	vne.s32 v5, v6;
	v14 =	vld.idx.msk [tilespmem:v19+s29+$0x0], $0xffff  }
.LBB2_11:
0x140: {  	p1 =	slt.u32 s22, $0x78;
	v18 =	vsel vm1, v13, v18;
	[tilespmem:v7+s31+$0x0] =	vst.idx.add.f32.msk vm2, v11  }
0x141: {  	s15 =	sadd.s32 $0x1, s21;
	v11 =	vadd.f32 v12, v18;
	v19 =	vld.idx.msk [tilespmem:v17+s30+$0x0], $0xffff;
	v7 =	vmov v9  }
0x142: {  	v9 =	vadd.s32 s15, v1;
	vm3 =	vne.s32 v7, v5;
	v20 =	vld.idx.msk [tilespmem:v17+s29+$0x0], $0xffff  }
0x143: {  	v11 =	vsel vm3, v12, v11;
	[tilespmem:v4+s31+$0x0] =	vst.idx.add.f32.msk vm0, v8  }
0x144: {  	s15 =	sadd.s32 $0x2, s21;
	v13 =	vld.idx.msk [tilespmem:v16+s30+$0x0], $0xffff;
	v8 =	vadd.f32 v15, v11;
	v4 =	vmov v14  }
0x145: {  	v21 =	vadd.s32 s15, v1;
	v14 =	vld.idx.msk [tilespmem:v16+s29+$0x0], $0xffff;
	vm2 =	vne.s32 v4, v7  }
0x146: {  	[tilespmem:v6+s31+$0x0] =	vst.idx.add.f32.msk vm1, v10;
	v8 =	vsel vm2, v15, v8  }
.Ltmp6:
0x147: {  	s15 =	sadd.s32 $0x3, s21;
	s21 =	smov.u32 s22;
	v12 =	vld.idx.msk [tilespmem:v9+s30+$0x0], $0xffff;
	v10 =	vadd.f32 v19, v8;
	v6 =	vmov v20;
	(pc) =	sbr.rel @p1 .LBB2_11-.Ltmp6, $4  }
0x148: {  	v17 =	vadd.s32 s15, v1;
	vm0 =	vne.s32 v20, v4;
	v9 =	vld.idx.msk [tilespmem:v9+s29+$0x0], $0xffff  }
0x149: {  	[tilespmem:v5+s31+$0x0] =	vst.idx.add.f32.msk vm3, v18;
	v10 =	vsel vm0, v19, v10  }
0x14a: {  	v18 =	vadd.f32 v13, v10;
	v15 =	vld.idx.msk [tilespmem:v21+s30+$0x0], $0xffff;
	v5 =	vmov v14  }
0x14b: {  	s22 =	sadd.s32 $0x4, s22;
	v16 =	vadd.s32 s21, v1;
	vm1 =	vne.s32 v5, v20;
	v14 =	vld.idx.msk [tilespmem:v21+s29+$0x0], $0xffff  }
0x14c: {  	_ =	sdelay $0x3  }
0x14d: {  	s15 =	sadd.s32 $0x1, s21  }
0x14e: {  	v13 =	vsel vm1, v13, v18;
	[tilespmem:v7+s31+$0x0] =	vst.idx.add.f32.msk vm2, v11;
	v7 =	vadd.s32 s15, v1  }
0x14f: {  	v18 =	vld.idx.msk [tilespmem:v17+s30+$0x0], $0xffff;
	s22 =	sadd.s32 $0x2, s21;
	v11 =	vadd.f32 v12, v13  }
0x150: {  	v17 =	vld.idx.msk [tilespmem:v17+s29+$0x0], $0xffff;
	s19 =	sadd.s32 $0x3, s21;
	vm2 =	vne.s32 v9, v5;
	v19 =	vadd.s32 s22, v1  }
0x151: {  	v20 =	vadd.s32 s19, v1;
	v11 =	vsel vm2, v12, v11;
	v12 =	vld.idx.msk [tilespmem:v16+s30+$0x0], $0xffff  }
0x152: {  	v16 =	vld.idx.msk [tilespmem:v16+s29+$0x0], $0xffff;
	v21 =	vadd.f32 v15, v11  }
0x153: {  	vm3 =	vne.s32 v14, v9;
	v22 =	vld.idx.msk [tilespmem:v7+s30+$0x0], $0xffff  }
0x154: {  	v15 =	vsel vm3, v15, v21;
	v7 =	vld.idx.msk [tilespmem:v7+s29+$0x0], $0xffff  }
0x155: {  	v23 =	vld.idx.msk [tilespmem:v19+s29+$0x0], $0xffff;
	v21 =	vadd.f32 v18, v15  }
0x156: {  	vm4 =	vne.s32 v17, v14;
	v24 =	vld.idx.msk [tilespmem:v20+s29+$0x0], $0xffff  }
0x157: {  	[tilespmem:v4+s31+$0x0] =	vst.idx.add.f32.msk vm0, v8;
	vm0 =	vne.s32 v16, v17;
	v4 =	vsel vm4, v18, v21  }
0x158: {  	[tilespmem:v6+s31+$0x0] =	vst.idx.add.f32.msk vm1, v10;
	v6 =	vadd.f32 v12, v4  }
0x159: {  	v8 =	vld.idx.msk [tilespmem:v19+s30+$0x0], $0xffff;
	vm1 =	vne.s32 v7, v16  }
0x15a: {  	[tilespmem:v5+s31+$0x0] =	vst.idx.add.f32.msk vm2, v13;
	vm2 =	vne.s32 v23, v7;
	v5 =	vsel vm0, v12, v6  }
0x15b: {  	[tilespmem:v9+s31+$0x0] =	vst.idx.add.f32.msk vm3, v11;
	vm3 =	vne.s32 v24, v23;
	v6 =	vadd.f32 v22, v5  }
0x15c: {  	[tilespmem:v14+s31+$0x0] =	vst.idx.add.f32.msk vm4, v15  }
0x15d: {  	[tilespmem:v17+s31+$0x0] =	vst.idx.add.f32.msk vm0, v4;
	v4 =	vsel vm1, v22, v6  }
0x15e: {  	v6 =	vld.idx.msk [tilespmem:v20+s30+$0x0], $0xffff;
	v9 =	vadd.f32 v8, v4  }
0x15f: {  	[tilespmem:v16+s31+$0x0] =	vst.idx.add.f32.msk vm1, v5  }
0x160: {  	[tilespmem:v7+s31+$0x0] =	vst.idx.add.f32.msk vm2, v4;
	v5 =	vsel vm2, v8, v9  }
0x161: {  	[tilespmem:v23+s31+$0x0] =	vst.idx.add.f32.msk vm3, v5  }
0x162: {  	v8 =	vld.idx.msk [tilespmem:v3+s29+$0x0], $0xffff;
	_ =	sdelay $0x4  }
0x163: {  	vm0 =	vne.s32 v8, v24;
	_ =	sdelay $0x2  }
0x164: {  	v4 =	vadd.f32 v6, v5;
	s15 =	rddreg [dreg:$0x11]  }
0x165: {  	s15 =	sadd.s32 @!p0 s6, s15  }
0x166: {  	v5 =	vld.idx.msk [tilespmem:v3+s30+$0x0], $0xffff;
	v4 =	vsel vm3, v6, v4;
	s15 =	sshrl.u32 @!p0 s15, $0x3  }
0x167: {  	s21 =	simm.s32 @!p0 $0x0;
	s22 =	simm.s32 @!p0 $0x1000;
	s19 =	sadd.s32 @!p0 s16, s15;
	[tilespmem:v24+s31+$0x0] =	vst.idx.add.f32.msk vm0, v4  }
0x168: {  	[tilespmem:s22], [sflag:$0x3] =	stream.linear.gather @!p0 [hbm4b:s19+s21], $0x7D0, $0x38;
	[tilespmem:$0x1F280] =	vst v63  }
0x169: {  	s15 =	sadd.s32 @!p0 s2, s15;
	s19 =	simm.s32 @!p0 $0x3800  }
0x16a: {  	[tilespmem:s19], [sflag:$0x3] =	stream.linear.gather @!p0 [hbm4b:s15+s21], $0x7D0, $0x38;
	[tilespmem:$0x1F280] =	vst v63  }
0x16b: {  	s21 =	simm.s32 $0x0;
	_ =	swait.ge [sflag:s12], $0x7D0  }
0x16c: {  	v6 =	vadd.s32 s21, v1;
	[sflag:s12] =	ssyncset.done $0x0  }
0x16d: {  	s22 =	simm.s32 $0x1;
	[sflag:s12] =	ssyncadd.s32 $0xFFFFF830  }
0x16e: {  	v7 =	vadd.s32 s22, v1;
	_ =	swait.ge [sflag:s12], $0x7D0  }
0x16f: {  	[sflag:s12] =	ssyncset.done $0x0  }
0x170: {  	[sflag:s12] =	ssyncadd.s32 $0xFFFFF830  }
0x171: {  	v9 =	vld.idx.msk [tilespmem:v6+s8+$0x0], $0xffff  }
0x172: {  	s19 =	simm.s32 $0x2;
	v10 =	vld.idx.msk [tilespmem:v6+s7+$0x0], $0xffff  }
0x173: {  	v6 =	vadd.s32 s19, v1;
	v11 =	vld.idx.msk [tilespmem:v7+s8+$0x0], $0xffff  }
0x174: {  	v4 =	vadd.f32 v5, v4;
	s21 =	simm.s32 $0x3;
	v7 =	vld.idx.msk [tilespmem:v7+s7+$0x0], $0xffff  }
0x175: {  	s22 =	simm.s32 $0x4;
	v12 =	vadd.s32 s21, v1  }
0x176: {  	v14 =	vsel vm0, v5, v4;
	v15 =	vadd.s32 s22, v1  }
0x177: {  	v5 =	vadd.f32 v9, v14  }
0x178: {  	v16 =	vld.idx.msk [tilespmem:v6+s8+$0x0], $0xffff;
	vm0 =	vne.s32 v10, v8  }
0x179: {  	v4 =	vld.idx.msk [tilespmem:v6+s7+$0x0], $0xffff;
	vm1 =	vne.s32 v7, v10;
	v17 =	vsel vm0, v9, v5  }
0x17a: {  	s19 =	simm.s32 $0x5;
	v18 =	vld.idx.msk [tilespmem:v12+s8+$0x0], $0xffff;
	v5 =	vadd.f32 v11, v17  }
0x17b: {  	v13 =	vld.idx.msk [tilespmem:v15+s8+$0x0], $0xffff;
	v9 =	vadd.s32 s19, v1  }
0x17c: {  	v6 =	vld.idx.msk [tilespmem:v12+s7+$0x0], $0xffff;
	v11 =	vsel vm1, v11, v5  }
0x17d: {  	s21 =	simm.s32 $0x6;
	v5 =	vld.idx.msk [tilespmem:v15+s7+$0x0], $0xffff;
	v12 =	vadd.f32 v16, v11  }
0x17e: {  	v19 =	vadd.s32 s21, v1;
	vm2 =	vne.s32 v4, v7;
	[tilespmem:v8+s31+$0x0] =	vst.idx.add.f32.msk vm0, v14  }
0x17f: {  	[tilespmem:v10+s31+$0x0] =	vst.idx.add.f32.msk vm1, v17;
	v8 =	vsel vm2, v16, v12  }
0x180: {  	s22 =	simm.s32 $0x7;
	v12 =	vld.idx.msk [tilespmem:v9+s8+$0x0], $0xffff;
	v14 =	vadd.f32 v18, v8  }
0x181: {  	vm0 =	vne.s32 v6, v4;
	v17 =	vadd.s32 s22, v1;
	v9 =	vld.idx.msk [tilespmem:v9+s7+$0x0], $0xffff  }
0x182: {  	v10 =	vsel vm0, v18, v14  }
0x183: {  	s21 =	simm.s32 $0x8;
	v15 =	vld.idx.msk [tilespmem:v19+s8+$0x0], $0xffff;
	v18 =	vadd.f32 v13, v10  }
0x184: {  	s22 =	simm.s32 $0xC;
	v16 =	vadd.s32 s21, v1;
	vm1 =	vne.s32 v5, v6;
	v14 =	vld.idx.msk [tilespmem:v19+s7+$0x0], $0xffff  }
.LBB2_13:
0x185: {  	p1 =	slt.u32 s22, $0x78;
	v18 =	vsel vm1, v13, v18;
	[tilespmem:v7+s31+$0x0] =	vst.idx.add.f32.msk vm2, v11  }
0x186: {  	s15 =	sadd.s32 $0x1, s21;
	v11 =	vadd.f32 v12, v18;
	v19 =	vld.idx.msk [tilespmem:v17+s8+$0x0], $0xffff;
	v7 =	vmov v9  }
0x187: {  	v9 =	vadd.s32 s15, v1;
	vm3 =	vne.s32 v7, v5;
	v20 =	vld.idx.msk [tilespmem:v17+s7+$0x0], $0xffff  }
0x188: {  	v11 =	vsel vm3, v12, v11;
	[tilespmem:v4+s31+$0x0] =	vst.idx.add.f32.msk vm0, v8  }
0x189: {  	s15 =	sadd.s32 $0x2, s21;
	v13 =	vld.idx.msk [tilespmem:v16+s8+$0x0], $0xffff;
	v8 =	vadd.f32 v15, v11;
	v4 =	vmov v14  }
0x18a: {  	v21 =	vadd.s32 s15, v1;
	v14 =	vld.idx.msk [tilespmem:v16+s7+$0x0], $0xffff;
	vm2 =	vne.s32 v4, v7  }
0x18b: {  	[tilespmem:v6+s31+$0x0] =	vst.idx.add.f32.msk vm1, v10;
	v8 =	vsel vm2, v15, v8  }
.Ltmp7:
0x18c: {  	s15 =	sadd.s32 $0x3, s21;
	s21 =	smov.u32 s22;
	v12 =	vld.idx.msk [tilespmem:v9+s8+$0x0], $0xffff;
	v10 =	vadd.f32 v19, v8;
	v6 =	vmov v20;
	(pc) =	sbr.rel @p1 .LBB2_13-.Ltmp7, $4  }
0x18d: {  	v17 =	vadd.s32 s15, v1;
	vm0 =	vne.s32 v20, v4;
	v9 =	vld.idx.msk [tilespmem:v9+s7+$0x0], $0xffff  }
0x18e: {  	[tilespmem:v5+s31+$0x0] =	vst.idx.add.f32.msk vm3, v18;
	v10 =	vsel vm0, v19, v10  }
0x18f: {  	v18 =	vadd.f32 v13, v10;
	v15 =	vld.idx.msk [tilespmem:v21+s8+$0x0], $0xffff;
	v5 =	vmov v14  }
0x190: {  	s22 =	sadd.s32 $0x4, s22;
	v16 =	vadd.s32 s21, v1;
	vm1 =	vne.s32 v5, v20;
	v14 =	vld.idx.msk [tilespmem:v21+s7+$0x0], $0xffff  }
0x191: {  	_ =	sdelay $0x3  }
0x192: {  	s15 =	sadd.s32 $0x1, s21  }
0x193: {  	v13 =	vsel vm1, v13, v18;
	[tilespmem:v7+s31+$0x0] =	vst.idx.add.f32.msk vm2, v11;
	v7 =	vadd.s32 s15, v1  }
0x194: {  	v60 =	vld.idx.msk [tilespmem:v17+s8+$0x0], $0xffff;
	s19 =	sadd.s32 $0x2, s21;
	v11 =	vadd.f32 v12, v13  }
0x195: {  	v61 =	vld.idx.msk [tilespmem:v17+s7+$0x0], $0xffff;
	s22 =	sadd.s32 $0x3, s21;
	vm10 =	vne.s32 v9, v5;
	v19 =	vadd.s32 s19, v1  }
0x196: {  	v62 =	vld.idx.msk [tilespmem:v16+s8+$0x0], $0xffff;
	v20 =	vadd.s32 s22, v1;
	v11 =	vsel vm10, v12, v11  }
0x197: {  	v63 =	vld.idx.msk [tilespmem:v16+s7+$0x0], $0xffff;
	v21 =	vadd.f32 v15, v11  }
0x198: {  	vm3 =	vne.s32 v14, v9;
	v22 =	vld.idx.msk [tilespmem:v7+s8+$0x0], $0xffff  }
0x199: {  	v15 =	vsel vm3, v15, v21;
	v7 =	vld.idx.msk [tilespmem:v7+s7+$0x0], $0xffff  }
0x19a: {  	v23 =	vld.idx.msk [tilespmem:v19+s7+$0x0], $0xffff;
	v21 =	vadd.f32 v60, v15  }
0x19b: {  	vm4 =	vne.s32 v61, v14;
	v24 =	vld.idx.msk [tilespmem:v20+s7+$0x0], $0xffff  }
0x19c: {  	[tilespmem:v4+s31+$0x0] =	vst.idx.add.f32.msk vm0, v8;
	vm11 =	vne.s32 v63, v61;
	v4 =	vsel vm4, v60, v21  }
0x19d: {  	[tilespmem:v6+s31+$0x0] =	vst.idx.add.f32.msk vm1, v10;
	v6 =	vadd.f32 v62, v4  }
0x19e: {  	v8 =	vld.idx.msk [tilespmem:v19+s8+$0x0], $0xffff;
	vm12 =	vne.s32 v7, v63  }
0x19f: {  	[tilespmem:v5+s31+$0x0] =	vst.idx.add.f32.msk vm10, v13;
	vm13 =	vne.s32 v23, v7;
	v5 =	vsel vm11, v62, v6  }
0x1a0: {  	[tilespmem:v9+s31+$0x0] =	vst.idx.add.f32.msk vm3, v11;
	vm14 =	vne.s32 v24, v23;
	v6 =	vadd.f32 v22, v5  }
0x1a1: {  	[tilespmem:v14+s31+$0x0] =	vst.idx.add.f32.msk vm4, v15  }
0x1a2: {  	[tilespmem:v61+s31+$0x0] =	vst.idx.add.f32.msk vm11, v4;
	v4 =	vsel vm12, v22, v6  }
0x1a3: {  	v6 =	vld.idx.msk [tilespmem:v20+s8+$0x0], $0xffff;
	v9 =	vadd.f32 v8, v4  }
0x1a4: {  	[tilespmem:v63+s31+$0x0] =	vst.idx.add.f32.msk vm12, v5  }
0x1a5: {  	[tilespmem:v7+s31+$0x0] =	vst.idx.add.f32.msk vm13, v4;
	v5 =	vsel vm13, v8, v9  }
0x1a6: {  	[tilespmem:v23+s31+$0x0] =	vst.idx.add.f32.msk vm14, v5  }
0x1a7: {  	v8 =	vld.idx.msk [tilespmem:v3+s7+$0x0], $0xffff;
	_ =	sdelay $0x3  }
0x1a8: {  	v4 =	vld.idx.msk [tilespmem:v3+s8+$0x0], $0xffff  }
0x1a9: {  	vm15 =	vne.s32 v8, v24  }
0x1aa: {  	v5 =	vadd.f32 v6, v5  }
.Ltmp8:
0x1ab: {  	_ = 	snop;
	(pc) =	sbr.rel @p0 .LBB2_16-.Ltmp8, $3  }
0x1ac: {  	v5 =	vsel vm14, v6, v5  }
0x1ad: {  	v6 =	vadd.f32 v4, v5;
	_ =	sdelay $0x1  }
0x1ae: {  	v9 =	vsel vm15, v4, v6;
	[tilespmem:v24+s31+$0x0] =	vst.idx.add.f32.msk vm15, v5  }
0x1af: {  	s15 =	rddreg [dreg:$0x12]  }
0x1b0: {  	s6 =	sadd.s32 s6, s15  }
.Ltmp9:
0x1b1: {  	s6 =	sshrl.u32 s6, $0x3;
	(pc) =	sbr.rel .LBB2_4-.Ltmp9, $4  }
0x1b2: {  	s22 =	sadd.s32 s16, s6  }
0x1b3: {  	[tilespmem:s29], [sflag:$0x4] =	stream.linear.gather [hbm4b:s22+s5], $0x7D0, $0x38;
	[tilespmem:$0x1F280] =	vst v63  }
0x1b4: {  	s14 =	sadd.s32 $0x1, s14;
	s6 =	sadd.s32 s2, s6  }
0x1b5: {  	[tilespmem:s30], [sflag:$0x4] =	stream.linear.gather [hbm4b:s6+s5], $0x7D0, $0x38;
	[tilespmem:$0x1F280] =	vst v63  }
.LBB2_16:
0x1b6: {  	_ =	sdelay $0x3  }
0x1b7: {  	[tilespmem:v8+s31+$0x0] =	vst.idx.add.f32.msk $0xffff, v9;
	s1 =	simm.s32 $0x1D900  }
0x1b8: {  	[tilespmem:s1], [sflag:$0x6] =	stream.linear.gather [hbm4b:s17+s5], $0x10, $0x38;
	[tilespmem:$0x1F280] =	vst v63  }
0x1b9: {  	_ =	swait.ge [sflag:s0], $0x10  }
0x1ba: {  	[sflag:s0] =	ssyncset.done $0x0  }
0x1bb: {  	s6 =	simm.s32 $0x1D980;
	s19 =	rddreg [dreg:$0x13];
	[sflag:s0] =	ssyncadd.s32 $0xFFFFFFF0  }
0x1bc: {  	[tilespmem:s6], [sflag:$0x6] =	stream.linear.gather [hbm4b:s19+s5], $0x10, $0x38;
	[tilespmem:$0x1F280] =	vst v63  }
0x1bd: {  	_ =	swait.ge [sflag:s0], $0x10  }
0x1be: {  	[sflag:s0] =	ssyncset.done $0x0  }
0x1bf: {  	[sflag:s0] =	ssyncadd.s32 $0xFFFFFFF0  }
0x1c0: {  	v4 =	vld [tilespmem:$0x1D900];
	_ =	sdelay $0x4  }
0x1c1: {  	v4 =	vxor.u32 $0x80000000, v4  }
0x1c2: {  	(xrf0) =	vmin.scan.msk.u32 $0xffff, v4  }
0x1c3: {  	v4 =	vld [tilespmem:$0x1D980];
	_ =	sdelay $0x4  }
0x1c4: {  	v4 =	vxor.u32 $0x80000000, v4;
	v5, _, _ =	vpop (xrf0)  }
0x1c5: {  	(xrf0) =	vmax.scan.msk.u32 $0xffff, v4;
	(v2sf) =	vpush v5, $0xF;
	_ =	sdelay $0x5  }
0x1c6: {  	v4, _, _ =	vpop (xrf0)  }
0x1c7: {  	(v2sf) =	vpush v4, $0xF;
	_ =	sdelay $0x7  }
0x1c8: {  	s21 =	spop (v2sf)  }
0x1c9: {  	s14 =	sxor.u32 $0x80000000, s21  }
0x1ca: {  	p1 =	sgt.s32 s21, $0xFFFFFFFF;
	s6 =	sand.u32 $0xFF, s21;
	p0 =	slt.s32 s14, $0x1  }
0x1cb: {  	s15 =	sshra.s32 s14, $0x1F;
	p4 =	sne.s32 s6, $0x0;
	p0 =	por p1, p0  }
0x1cc: {  	s22 =	sshrl.u32 s15, $0x18;
	p0 =	por !p4, !p0  }
0x1cd: {  	s6 =	sadd.s32 s22, s14;
	s14 =	simm.s32 $0x1;
	p0 =	por !p0, !p0  }
0x1ce: {  	s6 =	sshra.s32 s6, $0x8;
	s14 =	simm.s32 @!p0 $0x0  }
0x1cf: {  	s1 =	spop (v2sf);
	s14 =	ssub.s32 s6, s14  }
0x1d0: {  	s19 =	sxor.u32 $0x80000000, s1;
	s6 =	sshll.u32 s14, $0x8  }
0x1d1: {  	s21 =	ssub.s32 s19, s6;
	p0 =	sne.s32 s19, s6;
	s19 =	simm.s32 $0x1  }
0x1d2: {  	s22 =	sshra.s32 s21, $0x1F;
	s19 =	simm.s32 @!p0 $0x0  }
0x1d3: {  	s15 =	sand.u32 $0xFF, s1;
	s19 =	sor.u32 s19, s22  }
0x1d4: {  	p6 =	sne.s32 s15, $0x0;
	p5 =	sne.s32 s19, $0x1  }
0x1d5: {  	s22 =	sshrl.u32 s22, $0x18;
	p0 =	por !p6, !p5  }
0x1d6: {  	s15 =	sadd.s32 s22, s21;
	s19 =	simm.s32 $0x1;
	p0 =	por !p0, !p0  }
0x1d7: {  	s21 =	sshra.s32 s15, $0x8;
	s19 =	simm.s32 @!p0 $0x0  }
0x1d8: {  	s15 =	ssub.s32 s21, s19  }
0x1d9: {  	p1 =	slt.s32 s15, $0x0  }
.Ltmp10:
0x1da: {  	_ = 	snop;
	(pc) =	sbr.rel @p1 .LBB2_20-.Ltmp10, $2  }
0x1db: {  	_ =	sdelay $0x2  }
0x1dc: {  	s22 =	rddreg [dreg:$0x16]  }
0x1dd: {  	s6 =	sadd.s32 $0xF0, s6  }
0x1de: {  	s15 =	sadd.s32 $0xFFFFFF10, s6  }
0x1df: {  	s22 =	sadd.s32 $0xFFFFFFA0, s6;
	v4 =	vor.u32 s15, v0  }
0x1e0: {  	s1 =	sadd.s32 $0xFFFFFFB0, s6;
	[tilespmem:$0x1D800] =	vst v4;
	v4 =	vor.u32 s22, v0  }
0x1e1: {  	s22 =	sadd.s32 $0xFFFFFF80, s6;
	[tilespmem:$0x1D890] =	vst v4;
	v4 =	vor.u32 s1, v0  }
0x1e2: {  	s16 =	sadd.s32 $0xFFFFFFC0, s6;
	v5 =	vor.u32 s22, v0;
	[tilespmem:$0x1D8A0] =	vst v4  }
0x1e3: {  	s22 =	sadd.s32 $0xFFFFFF50, s6;
	v4 =	vor.u32 s16, v0;
	[tilespmem:$0x1D870] =	vst v5  }
0x1e4: {  	s17 =	sadd.s32 $0xFFFFFFD0, s6;
	s15 =	simm.s32 $0xFFFFFFFF;
	v5 =	vor.u32 s22, v0;
	[tilespmem:$0x1D8B0] =	vst v4  }
0x1e5: {  	s15 =	simm.s32 @!p0 $0x0;
	s16 =	sadd.s32 $0xFFFFFF60, s6;
	v4 =	vor.u32 s17, v0;
	[tilespmem:$0x1D840] =	vst v5  }
0x1e6: {  	s18 =	sadd.s32 $0xFFFFFFE0, s6;
	s15 =	sadd.s32 s15, s21;
	v5 =	vor.u32 s16, v0;
	[tilespmem:$0x1D8C0] =	vst v4  }
0x1e7: {  	s15 =	sadd.s32 $0x1, s15;
	s17 =	sadd.s32 $0xFFFFFF40, s6;
	v4 =	vor.u32 s18, v0;
	[tilespmem:$0x1D850] =	vst v5  }
0x1e8: {  	s19 =	sadd.s32 $0xFFFFFFF0, s6;
	p0 =	sne.s32 s15, $0x1;
	v6 =	vor.u32 s17, v0;
	[tilespmem:$0x1D8D0] =	vst v4  }
.Ltmp11:
0x1e9: {  	v4 =	vor.u32 s19, v0;
	[tilespmem:$0x1D830] =	vst v6;
	(pc) =	sbr.rel @!p0 .LBB2_19-.Ltmp11, $4  }
0x1ea: {  	s14 =	sshll.u32 s14, $0xA;
	s19 =	sadd.s32 $0xFFFFFF90, s6;
	[tilespmem:$0x1D8E0] =	vst v4;
	v4 =	vor.u32 s6, v0  }
0x1eb: {  	s14 =	sshra.s32 s14, $0x2;
	s1 =	sadd.s32 $0xFFFFFF70, s6;
	[tilespmem:$0x1D8F0] =	vst v4;
	v4 =	vor.u32 s19, v0  }
0x1ec: {  	s21 =	sadd.s32 $0x5000, s14;
	s16 =	sadd.s32 $0xFFFFFF30, s6;
	s18 =	sadd.s32 $0xFFFFFF20, s6;
	[tilespmem:$0x1D880] =	vst v4;
	v4 =	vor.u32 s1, v0  }
0x1ed: {  	s14 =	smov.u32 s21;
	s22 =	sadd.s32 $0xFFFFFFFF, s15;
	v5 =	vor.u32 s16, v0;
	[tilespmem:$0x1D860] =	vst v4;
	v4 =	vor.u32 s18, v0  }
.LBB2_18:
0x1ee: {  	p0 =	sne.s32 s22, $0x1;
	[tilespmem:$0x1D820] =	vst v5;
	s14 =	sadd.s32 $0x100, s14;
	s6 =	sadd.s32 $0x100, s6  }
0x1ef: {  	s22 =	sadd.s32 $0xFFFFFFFF, s22;
	[tilespmem:$0x1D810] =	vst v4  }
0x1f0: {  	[spmem:s4] =	stream.indirect.scatter.add.f32 [tilespmem:s21], [sflag:$0x6], $0x1, s20, s13, $0xb8;
	[tilespmem:$0x1F280] =	vst v63  }
0x1f1: {  	s21 =	smov.u32 s14;
	_ =	swait.ge [sflag:s0], $0x100  }
0x1f2: {  	s15 =	sadd.s32 $0xFFFFFF10, s6;
	[sflag:s0] =	ssyncset.done $0x0  }
0x1f3: {  	v4 =	vor.u32 s15, v0;
	s15 =	sadd.s32 $0xFFFFFFA0, s6;
	[sflag:s0] =	ssyncadd.s32 $0xFFFFFF00  }
0x1f4: {  	[tilespmem:$0x1D800] =	vst v4;
	v4 =	vor.u32 s15, v0;
	s15 =	sadd.s32 $0xFFFFFFB0, s6  }
0x1f5: {  	[tilespmem:$0x1D890] =	vst v4;
	v4 =	vor.u32 s15, v0;
	s15 =	sadd.s32 $0xFFFFFFC0, s6  }
0x1f6: {  	[tilespmem:$0x1D8A0] =	vst v4;
	v4 =	vor.u32 s15, v0;
	s15 =	sadd.s32 $0xFFFFFFD0, s6  }
0x1f7: {  	[tilespmem:$0x1D8B0] =	vst v4;
	v4 =	vor.u32 s15, v0;
	s15 =	sadd.s32 $0xFFFFFFE0, s6  }
0x1f8: {  	[tilespmem:$0x1D8C0] =	vst v4;
	v4 =	vor.u32 s15, v0;
	s15 =	sadd.s32 $0xFFFFFFF0, s6  }
0x1f9: {  	[tilespmem:$0x1D8D0] =	vst v4;
	v4 =	vor.u32 s15, v0  }
0x1fa: {  	s16 =	sadd.s32 $0xFFFFFF90, s6;
	s15 =	sadd.s32 $0xFFFFFF80, s6;
	[tilespmem:$0x1D8E0] =	vst v4;
	v4 =	vor.u32 s6, v0  }
0x1fb: {  	s19 =	sadd.s32 $0xFFFFFF50, s6;
	s17 =	sadd.s32 $0xFFFFFF60, s6;
	s18 =	sadd.s32 $0xFFFFFF70, s6;
	v6 =	vor.u32 s16, v0;
	v5 =	vor.u32 s15, v0;
	[tilespmem:$0x1D8F0] =	vst v4  }
0x1fc: {  	s1 =	sadd.s32 $0xFFFFFF40, s6;
	s16 =	sadd.s32 $0xFFFFFF30, s6;
	v7 =	vor.u32 s19, v0;
	v8 =	vor.u32 s17, v0;
	v9 =	vor.u32 s18, v0;
	s15 =	sadd.s32 $0xFFFFFF20, s6;
	[tilespmem:$0x1D870] =	vst v5  }
.Ltmp12:
0x1fd: {  	v10 =	vor.u32 s1, v0;
	v4 =	vor.u32 s15, v0;
	v5 =	vor.u32 s16, v0;
	[tilespmem:$0x1D880] =	vst v6;
	(pc) =	sbr.rel @p0 .LBB2_18-.Ltmp12, $4  }
0x1fe: {  	[tilespmem:$0x1D840] =	vst v7  }
0x1ff: {  	[tilespmem:$0x1D860] =	vst v9  }
0x200: {  	[tilespmem:$0x1D850] =	vst v8  }
0x201: {  	[tilespmem:$0x1D830] =	vst v10  }
.Ltmp13:
0x202: {  	_ = 	snop;
	(pc) =	sbr.rel .LBB2_19-.Ltmp13, $1  }
0x203: {  	_ =	sdelay $0x3  }
.LBB2_21:
0x204: {  	_ =	sfence.sel $0x180000  }
0x205: {  	[bflag:$0x0] =	sbarrier.arrive $0xFFFF  }
0x206: {  	_ =	strace $0x90000047  }
0x207: {  	s0 =	stileid.u32;
	[bflag:$0x2] =	sbarrier.arrive $0xFFFF  }
0x208: {  	p0 =	sne.s32 s0, $0x0;
	s0 =	rddreg [dreg:$0x4]  }
0x209: {  	s0 =	sadd.s32 @!p0 $0x100000, s0  }
0x20a: {  	[sflag:s0] =	ssyncadd.tile.s32 @!p0 $0x1;
	_ =	shalt  }
.Lfunc_end2:
_tile_overlayer_lowered:
.L_overlay_start_2:
0x20b: {  	(tag) =	ssettag $0x2  }
0x20c: {  	s0 =	rddreg [dreg:$0x0];
	s2 =	stileid.u32  }
0x20d: {  	s1 =	rddreg [dreg:$0x1];
	p0 =	sne.s32 s2, $0x0  }
0x20e: {  	s3 =	rddreg [dreg:$0x2];
	[bflag:$0x3] =	sbarrier.arrive $0xFFFF;
	s2 =	simm.s32 @!p0 $0x1C06  }
0x20f: {  	[timem:s3], [sflag:s2] =	dma.local @!p0 [hbm:s0], s1  }
0x210: {  	s0 =	simm.s32 @!p0 $0x6  }
0x211: {  	_ =	swait.ge @!p0 [sflag:s0], s1  }
0x212: {  	s1 =	ssub.s32 @!p0 $0x0, s1;
	[sflag:s0] =	ssyncset.done @!p0 $0x0  }
0x213: {  	[sflag:s0] =	ssyncadd.s32 @!p0 s1  }
0x214: {  	[bflag:$0x3] =	sbarrier.arrive $0xFFFF  }
0x215: {  	_ =	shalt  }

</sc_bundles>
